<compile_context>
chip_gen: v7x
topology: tpu7x:2x2x1
jax: 0.10.2.dev20260603
libtpu: 0.0.44.dev20260713+nightly
codegen_flags: <defaults>
</compile_context>

<pallas_src>
import jax
import jax.numpy as jnp
from jax import lax
from jax.experimental import pallas as pl
from jax.experimental.pallas import tpu as pltpu
from jax.experimental.pallas import tpu_sc as plsc

D = 128
E = 320000
NW = 32
EPW = E // NW
C = 200
NCHUNK = EPW // C


def _decoder_kernel(z_hbm, srci_hbm, dsti_hbm, out_hbm,
                    z_sh, srci_v, dsti_v, src_rows, dst_rows, out_v, sems):
    wid = lax.axis_index("s") * 2 + lax.axis_index("c")

    sid = lax.axis_index("s")
    rows_per_sub = 10000 // 16
    pltpu.sync_copy(z_hbm.at[pl.ds(sid * rows_per_sub, rows_per_sub)],
                    z_sh.at[pl.ds(sid * rows_per_sub, rows_per_sub)])
    plsc.subcore_barrier()

    pltpu.sync_copy(srci_hbm.at[wid], srci_v)
    pltpu.sync_copy(dsti_hbm.at[wid], dsti_v)

    lane = lax.iota(jnp.int32, 16)
    last_lane = lane == 15

    def fire(ci, b):
        pltpu.async_copy(z_sh.at[srci_v.at[ci]], src_rows[b], sems[2 * b])
        pltpu.async_copy(z_sh.at[dsti_v.at[ci]], dst_rows[b], sems[2 * b + 1])

    def drain(b):
        pltpu.make_async_copy(z_hbm.at[pl.ds(0, C)], src_rows[b],
                              sems[2 * b]).wait()
        pltpu.make_async_copy(z_hbm.at[pl.ds(0, C)], dst_rows[b],
                              sems[2 * b + 1]).wait()

    def compute(ci, b):
        sr, dr = src_rows[b], dst_rows[b]

        @plsc.parallel_loop(0, C, step=1, unroll=16)
        def _(e):
            acc = None
            for j in range(D // 64):
                pa = (sr[e, pl.ds(j * 64, 32)]
                      * dr[e, pl.ds(j * 64, 32)])
                pb = (sr[e, pl.ds(j * 64 + 32, 32)]
                      * dr[e, pl.ds(j * 64 + 32, 32)])
                p = pa + pb
                p0, p1 = plsc.unpack(p, format=plsc.PackFormat.INTERLEAVED,
                                     preferred_element_type=jnp.float32)
                t = p0 + p1
                acc = t if acc is None else acc + t
            cum = plsc.cumsum(acc)
            plsc.store_compressed(out_v.at[pl.ds(ci * C + e, 16)], cum,
                                  mask=last_lane)

    fire(0, 0)

    def pair_body(i, carry):
        ci = i * 2
        drain(0)

        @pl.when(ci + 1 < NCHUNK)
        def _():
            fire(ci + 1, 1)

        compute(ci, 0)

        @pl.when(ci + 2 < NCHUNK)
        def _():
            fire(ci + 2, 0)

        @pl.when(ci + 1 < NCHUNK)
        def _():
            drain(1)
            compute(ci + 1, 1)

        return carry

    lax.fori_loop(0, (NCHUNK + 1) // 2, pair_body, 0)

    pltpu.sync_copy(out_v.at[pl.ds(0, EPW)], out_hbm.at[wid])


@jax.jit
def kernel(z, edge_index):
    zb = z.astype(jnp.bfloat16)
    ei = edge_index.astype(jnp.int32)
    srci = ei[0].reshape(NW, NCHUNK, C)
    dsti = ei[1].reshape(NW, NCHUNK, C)

    mesh = plsc.VectorSubcoreMesh(core_axis_name="c", subcore_axis_name="s")
    run = pl.kernel(
        _decoder_kernel,
        mesh=mesh,
        compiler_params=pltpu.CompilerParams(
            needs_layout_passes=False,
            use_tc_tiling_on_sc=False,
        ),
        out_type=jax.ShapeDtypeStruct((NW, EPW), jnp.float32),
        scratch_types=[
            pltpu.VMEM_SHARED((10000, D), jnp.bfloat16),
            pltpu.VMEM((NCHUNK, C), jnp.int32),
            pltpu.VMEM((NCHUNK, C), jnp.int32),
            [pltpu.VMEM((C, D), jnp.bfloat16)] * 2,
            [pltpu.VMEM((C, D), jnp.bfloat16)] * 2,
            pltpu.VMEM((EPW + 16,), jnp.float32),
            [pltpu.SemaphoreType.DMA] * 4,
        ],
    )
    out = run(zb, srci, dsti)
    return out.reshape(E)

# --- scband reference (transcript-rebuilt; emitter-appended) ---
"""Pipeline reference for scband-dot-product-decoder-50654844289595 (READ-ONLY COPY).

The authoritative reference and input builder live on the scoring server;
editing this copy changes nothing except your own understanding.
"""

import jax, jax.numpy as jnp
import numpy as np


def setup_inputs(seed: int = 0) -> dict:
    key = jax.random.key(seed)
    k1, k2 = jax.random.split(key)
    z = jax.random.normal(k1, (10000, 128), dtype=jnp.float32)
    edge_index = jax.random.randint(k2, (2, 320000), 0, 10000, dtype=jnp.int64)
    return {"z": z, "edge_index": edge_index}


def reference(z, edge_index):
    src = edge_index[0]
    dst = edge_index[1]
    zs = jnp.take(z, src, axis=0)
    zd = jnp.take(z, dst, axis=0)
    return (zs * zd).sum(axis=-1)

if __name__ == "__main__":
    import jax
    _d = setup_inputs()
    print(jax.jit(kernel)(*tuple(_d.values())))

</pallas_src>

<mosaic_0001>
#map = affine_map<(d0, d1) -> (0, 0)>
#map1 = affine_map<(d0, d1) -> (0, 0, 0)>
module attributes {stable_mosaic.version = 14 : i64} {
  func.func @_decoder_kernel(%arg0: i32, %arg1: i32, %arg2: memref<10000x128xbf16, #tpu.memory_space<hbm>>, %arg3: memref<32x50x200xi32, #tpu.memory_space<hbm>>, %arg4: memref<32x50x200xi32, #tpu.memory_space<hbm>>, %arg5: memref<32x10000xf32, #tpu.memory_space<hbm>>, %arg6: memref<10000x128xbf16, #tpu.memory_space<vmem_shared>>, %arg7: memref<50x200xi32, #tpu.memory_space<vmem>>, %arg8: memref<50x200xi32, #tpu.memory_space<vmem>>, %arg9: memref<200x128xbf16, #tpu.memory_space<vmem>>, %arg10: memref<200x128xbf16, #tpu.memory_space<vmem>>, %arg11: memref<200x128xbf16, #tpu.memory_space<vmem>>, %arg12: memref<200x128xbf16, #tpu.memory_space<vmem>>, %arg13: memref<10016xf32, #tpu.memory_space<vmem>>, %arg14: memref<!tpu.dma_semaphore, #tpu.memory_space<semaphore_mem>>, %arg15: memref<!tpu.dma_semaphore, #tpu.memory_space<semaphore_mem>>, %arg16: memref<!tpu.dma_semaphore, #tpu.memory_space<semaphore_mem>>, %arg17: memref<!tpu.dma_semaphore, #tpu.memory_space<semaphore_mem>>) attributes {dimension_semantics = [#tpu.dimension_semantics<core_parallel>, #tpu.dimension_semantics<subcore_parallel>], iteration_bounds = array<i64: 2, 16>, scalar_prefetch = 0 : i64, scratch_operands = 12 : i64, tpu.core_type = #tpu.core_type<sc_vector_subcore>, window_params = [{transform_indices = #map}, {transform_indices = #map1}, {transform_indices = #map1}, {transform_indices = #map}]} {
    %mul3A = arith.constant 2 : i32
    %mul3A_0 = arith.muli %arg1, %mul3A : i32
    %add3A = arith.addi %mul3A_0, %arg0 : i32
    %mul3A_1 = arith.constant 625 : i32
    %mul3A_2 = arith.muli %arg1, %mul3A_1 : i32
    %mul3A_3 = arith.constant 625 : i32
    %mul3A_4 = arith.muli %arg1, %mul3A_3 : i32
    "tpu.region"() ({
      %run_scoped3A = tpu.sem_alloc : memref<!tpu.dma_semaphore, #tpu.memory_space<semaphore_mem>>
      %dma_start3A_25 = arith.constant 0 : i32
      %dma_start3A_26 = tpu.memref_slice %arg6[%mul3A_4, %dma_start3A_25] : memref<10000x128xbf16, #tpu.memory_space<vmem_shared>> -> memref<625x128xbf16, #tpu.memory_space<vmem_shared>>
      %dma_start3A_27 = arith.constant 0 : i32
      %dma_start3A_28 = tpu.memref_slice %arg2[%mul3A_2, %dma_start3A_27] : memref<10000x128xbf16, #tpu.memory_space<hbm>> -> memref<625x128xbf16, #tpu.memory_space<hbm>>
      tpu.enqueue_dma source(%dma_start3A_28 : memref<625x128xbf16, #tpu.memory_space<hbm>>) target(%dma_start3A_26 : memref<625x128xbf16, #tpu.memory_space<vmem_shared>>) target_semaphore(%run_scoped3A : memref<!tpu.dma_semaphore, #tpu.memory_space<semaphore_mem>>)
      %dma_wait3A = arith.constant 0 : i32
      %dma_wait3A_29 = tpu.memref_slice %arg6[%mul3A_4, %dma_wait3A] : memref<10000x128xbf16, #tpu.memory_space<vmem_shared>> -> memref<625x128xbf16, #tpu.memory_space<vmem_shared>>
      %dma_wait3A_30 = arith.constant 0 : i32
      %dma_wait3A_31 = tpu.memref_slice %arg2[%mul3A_2, %dma_wait3A_30] : memref<10000x128xbf16, #tpu.memory_space<hbm>> -> memref<625x128xbf16, #tpu.memory_space<hbm>>
      tpu.wait_dma2 semaphore(%run_scoped3A : memref<!tpu.dma_semaphore, #tpu.memory_space<semaphore_mem>>) src(%dma_wait3A_31 : memref<625x128xbf16, #tpu.memory_space<hbm>>) dst(%dma_wait3A_29 : memref<625x128xbf16, #tpu.memory_space<vmem_shared>>)
      tpu.yield
    }) : () -> ()
    %barrier3A = arith.constant 0 : index
    tpu.barrier barrier_id(%barrier3A)
    "tpu.region"() ({
      %run_scoped3A = tpu.sem_alloc : memref<!tpu.dma_semaphore, #tpu.memory_space<semaphore_mem>>
      %dma_start3A_25 = arith.constant 0 : i32
      %dma_start3A_26 = arith.constant 0 : i32
      %dma_start3A_27 = tpu.memref_slice %arg3[%add3A, %dma_start3A_25, %dma_start3A_26] : memref<32x50x200xi32, #tpu.memory_space<hbm>> -> memref<1x50x200xi32, #tpu.memory_space<hbm>>
      %dma_start3A_28 = tpu.memref_squeeze %dma_start3A_27 : memref<1x50x200xi32, #tpu.memory_space<hbm>> -> memref<50x200xi32, #tpu.memory_space<hbm>>
      %dma_start3A_29 = arith.constant 0 : i32
      %dma_start3A_30 = arith.constant 0 : i32
      %dma_start3A_31 = tpu.memref_slice %arg3[%add3A, %dma_start3A_29, %dma_start3A_30] : memref<32x50x200xi32, #tpu.memory_space<hbm>> -> memref<1x50x200xi32, #tpu.memory_space<hbm>>
      %dma_start3A_32 = tpu.memref_squeeze %dma_start3A_31 : memref<1x50x200xi32, #tpu.memory_space<hbm>> -> memref<50x200xi32, #tpu.memory_space<hbm>>
      tpu.enqueue_dma source(%dma_start3A_32 : memref<50x200xi32, #tpu.memory_space<hbm>>) target(%arg7 : memref<50x200xi32, #tpu.memory_space<vmem>>) target_semaphore(%run_scoped3A : memref<!tpu.dma_semaphore, #tpu.memory_space<semaphore_mem>>)
      %dma_wait3A = arith.constant 0 : i32
      %dma_wait3A_33 = arith.constant 0 : i32
      %dma_wait3A_34 = tpu.memref_slice %arg3[%add3A, %dma_wait3A, %dma_wait3A_33] : memref<32x50x200xi32, #tpu.memory_space<hbm>> -> memref<1x50x200xi32, #tpu.memory_space<hbm>>
      %dma_wait3A_35 = tpu.memref_squeeze %dma_wait3A_34 : memref<1x50x200xi32, #tpu.memory_space<hbm>> -> memref<50x200xi32, #tpu.memory_space<hbm>>
      %dma_wait3A_36 = arith.constant 0 : i32
      %dma_wait3A_37 = arith.constant 0 : i32
      %dma_wait3A_38 = tpu.memref_slice %arg3[%add3A, %dma_wait3A_36, %dma_wait3A_37] : memref<32x50x200xi32, #tpu.memory_space<hbm>> -> memref<1x50x200xi32, #tpu.memory_space<hbm>>
      %dma_wait3A_39 = tpu.memref_squeeze %dma_wait3A_38 : memref<1x50x200xi32, #tpu.memory_space<hbm>> -> memref<50x200xi32, #tpu.memory_space<hbm>>
      tpu.wait_dma2 semaphore(%run_scoped3A : memref<!tpu.dma_semaphore, #tpu.memory_space<semaphore_mem>>) src(%dma_wait3A_39 : memref<50x200xi32, #tpu.memory_space<hbm>>) dst(%arg7 : memref<50x200xi32, #tpu.memory_space<vmem>>)
      tpu.yield
    }) : () -> ()
    "tpu.region"() ({
      %run_scoped3A = tpu.sem_alloc : memref<!tpu.dma_semaphore, #tpu.memory_space<semaphore_mem>>
      %dma_start3A_25 = arith.constant 0 : i32
      %dma_start3A_26 = arith.constant 0 : i32
      %dma_start3A_27 = tpu.memref_slice %arg4[%add3A, %dma_start3A_25, %dma_start3A_26] : memref<32x50x200xi32, #tpu.memory_space<hbm>> -> memref<1x50x200xi32, #tpu.memory_space<hbm>>
      %dma_start3A_28 = tpu.memref_squeeze %dma_start3A_27 : memref<1x50x200xi32, #tpu.memory_space<hbm>> -> memref<50x200xi32, #tpu.memory_space<hbm>>
      %dma_start3A_29 = arith.constant 0 : i32
      %dma_start3A_30 = arith.constant 0 : i32
      %dma_start3A_31 = tpu.memref_slice %arg4[%add3A, %dma_start3A_29, %dma_start3A_30] : memref<32x50x200xi32, #tpu.memory_space<hbm>> -> memref<1x50x200xi32, #tpu.memory_space<hbm>>
      %dma_start3A_32 = tpu.memref_squeeze %dma_start3A_31 : memref<1x50x200xi32, #tpu.memory_space<hbm>> -> memref<50x200xi32, #tpu.memory_space<hbm>>
      tpu.enqueue_dma source(%dma_start3A_32 : memref<50x200xi32, #tpu.memory_space<hbm>>) target(%arg8 : memref<50x200xi32, #tpu.memory_space<vmem>>) target_semaphore(%run_scoped3A : memref<!tpu.dma_semaphore, #tpu.memory_space<semaphore_mem>>)
      %dma_wait3A = arith.constant 0 : i32
      %dma_wait3A_33 = arith.constant 0 : i32
      %dma_wait3A_34 = tpu.memref_slice %arg4[%add3A, %dma_wait3A, %dma_wait3A_33] : memref<32x50x200xi32, #tpu.memory_space<hbm>> -> memref<1x50x200xi32, #tpu.memory_space<hbm>>
      %dma_wait3A_35 = tpu.memref_squeeze %dma_wait3A_34 : memref<1x50x200xi32, #tpu.memory_space<hbm>> -> memref<50x200xi32, #tpu.memory_space<hbm>>
      %dma_wait3A_36 = arith.constant 0 : i32
      %dma_wait3A_37 = arith.constant 0 : i32
      %dma_wait3A_38 = tpu.memref_slice %arg4[%add3A, %dma_wait3A_36, %dma_wait3A_37] : memref<32x50x200xi32, #tpu.memory_space<hbm>> -> memref<1x50x200xi32, #tpu.memory_space<hbm>>
      %dma_wait3A_39 = tpu.memref_squeeze %dma_wait3A_38 : memref<1x50x200xi32, #tpu.memory_space<hbm>> -> memref<50x200xi32, #tpu.memory_space<hbm>>
      tpu.wait_dma2 semaphore(%run_scoped3A : memref<!tpu.dma_semaphore, #tpu.memory_space<semaphore_mem>>) src(%dma_wait3A_39 : memref<50x200xi32, #tpu.memory_space<hbm>>) dst(%arg8 : memref<50x200xi32, #tpu.memory_space<vmem>>)
      tpu.yield
    }) : () -> ()
    %iota3A = tpu.iota {dimensions = array<i32: 0>} : vector<16xi32>
    %eq3A = arith.constant 15 : i32
    %eq3A_5 = vector.broadcast %eq3A : i32 to vector<16xi32>
    %eq3A_6 = arith.cmpi eq, %iota3A, %eq3A_5 : vector<16xi32>
    %dma_start3A = arith.constant 0 : i32
    %dma_start3A_7 = arith.constant 0 : i32
    %dma_start3A_8 = tpu.memref_slice %arg7[%dma_start3A, %dma_start3A_7] : memref<50x200xi32, #tpu.memory_space<vmem>> -> memref<1x200xi32, #tpu.memory_space<vmem>>
    %dma_start3A_9 = tpu.memref_squeeze %dma_start3A_8 : memref<1x200xi32, #tpu.memory_space<vmem>> -> memref<200xi32, #tpu.memory_space<vmem>>
    %dma_start3A_10 = arith.constant 0 : i32
    %dma_start3A_11 = arith.constant 0 : i32
    %dma_start3A_12 = tpu.memref_slice %arg6[%dma_start3A_10, %dma_start3A_11] : memref<10000x128xbf16, #tpu.memory_space<vmem_shared>> -> memref<10000x128xbf16, #tpu.memory_space<vmem_shared>>
    tpu.enqueue_indirect_dma source(%dma_start3A_12 : memref<10000x128xbf16, #tpu.memory_space<vmem_shared>>) target(%arg9 : memref<200x128xbf16, #tpu.memory_space<vmem>>) offsets(%dma_start3A_9 : memref<200xi32, #tpu.memory_space<vmem>>) semaphore(%arg14 : memref<!tpu.dma_semaphore, #tpu.memory_space<semaphore_mem>>)
    %dma_start3A_13 = arith.constant 0 : i32
    %dma_start3A_14 = arith.constant 0 : i32
    %dma_start3A_15 = tpu.memref_slice %arg8[%dma_start3A_13, %dma_start3A_14] : memref<50x200xi32, #tpu.memory_space<vmem>> -> memref<1x200xi32, #tpu.memory_space<vmem>>
    %dma_start3A_16 = tpu.memref_squeeze %dma_start3A_15 : memref<1x200xi32, #tpu.memory_space<vmem>> -> memref<200xi32, #tpu.memory_space<vmem>>
    %dma_start3A_17 = arith.constant 0 : i32
    %dma_start3A_18 = arith.constant 0 : i32
    %dma_start3A_19 = tpu.memref_slice %arg6[%dma_start3A_17, %dma_start3A_18] : memref<10000x128xbf16, #tpu.memory_space<vmem_shared>> -> memref<10000x128xbf16, #tpu.memory_space<vmem_shared>>
    tpu.enqueue_indirect_dma source(%dma_start3A_19 : memref<10000x128xbf16, #tpu.memory_space<vmem_shared>>) target(%arg11 : memref<200x128xbf16, #tpu.memory_space<vmem>>) offsets(%dma_start3A_16 : memref<200xi32, #tpu.memory_space<vmem>>) semaphore(%arg15 : memref<!tpu.dma_semaphore, #tpu.memory_space<semaphore_mem>>)
    %scan3A = arith.constant 0 : i32
    %scan3A_20 = arith.constant 0 : i32
    %scan3A_21 = arith.constant 25 : i32
    %scan3A_22 = arith.addi %scan3A_20, %scan3A_21 : i32
    %scan3A_23 = arith.constant 1 : i32
    scf.for %scan3A_25 = %scan3A_20 to %scan3A_22 step %scan3A_23  : i32 {
      %mul3A_26 = arith.constant 2 : i32
      %mul3A_27 = arith.muli %scan3A_25, %mul3A_26 : i32
      %dma_wait3A = arith.constant 0 : i32
      %dma_wait3A_28 = arith.constant 0 : i32
      %dma_wait3A_29 = tpu.memref_slice %arg2[%dma_wait3A, %dma_wait3A_28] : memref<10000x128xbf16, #tpu.memory_space<hbm>> -> memref<200x128xbf16, #tpu.memory_space<hbm>>
      %dma_wait3A_30 = arith.constant 0 : i32
      %dma_wait3A_31 = arith.constant 0 : i32
      %dma_wait3A_32 = tpu.memref_slice %arg2[%dma_wait3A_30, %dma_wait3A_31] : memref<10000x128xbf16, #tpu.memory_space<hbm>> -> memref<200x128xbf16, #tpu.memory_space<hbm>>
      tpu.wait_dma2 semaphore(%arg14 : memref<!tpu.dma_semaphore, #tpu.memory_space<semaphore_mem>>) src(%dma_wait3A_32 : memref<200x128xbf16, #tpu.memory_space<hbm>>) dst(%arg9 : memref<200x128xbf16, #tpu.memory_space<vmem>>)
      %dma_wait3A_33 = arith.constant 0 : i32
      %dma_wait3A_34 = arith.constant 0 : i32
      %dma_wait3A_35 = tpu.memref_slice %arg2[%dma_wait3A_33, %dma_wait3A_34] : memref<10000x128xbf16, #tpu.memory_space<hbm>> -> memref<200x128xbf16, #tpu.memory_space<hbm>>
      %dma_wait3A_36 = arith.constant 0 : i32
      %dma_wait3A_37 = arith.constant 0 : i32
      %dma_wait3A_38 = tpu.memref_slice %arg2[%dma_wait3A_36, %dma_wait3A_37] : memref<10000x128xbf16, #tpu.memory_space<hbm>> -> memref<200x128xbf16, #tpu.memory_space<hbm>>
      tpu.wait_dma2 semaphore(%arg15 : memref<!tpu.dma_semaphore, #tpu.memory_space<semaphore_mem>>) src(%dma_wait3A_38 : memref<200x128xbf16, #tpu.memory_space<hbm>>) dst(%arg11 : memref<200x128xbf16, #tpu.memory_space<vmem>>)
      %add3A_39 = arith.constant 1 : i32
      %add3A_40 = arith.addi %mul3A_27, %add3A_39 : i32
      %lt3A = arith.constant 50 : i32
      %lt3A_41 = arith.cmpi slt, %add3A_40, %lt3A : i32
      %convert_element_type3A = arith.extui %lt3A_41 : i1 to i32
      %cond3A = arith.constant 0 : i32
      %cond3A_42 = arith.cmpi ne, %convert_element_type3A, %cond3A : i32
      scf.if %cond3A_42 {
        %add3A_59 = arith.constant 1 : i32
        %add3A_60 = arith.addi %mul3A_27, %add3A_59 : i32
        %dma_start3A_61 = arith.constant 0 : i32
        %dma_start3A_62 = tpu.memref_slice %arg7[%add3A_60, %dma_start3A_61] : memref<50x200xi32, #tpu.memory_space<vmem>> -> memref<1x200xi32, #tpu.memory_space<vmem>>
        %dma_start3A_63 = tpu.memref_squeeze %dma_start3A_62 : memref<1x200xi32, #tpu.memory_space<vmem>> -> memref<200xi32, #tpu.memory_space<vmem>>
        %dma_start3A_64 = arith.constant 0 : i32
        %dma_start3A_65 = arith.constant 0 : i32
        %dma_start3A_66 = tpu.memref_slice %arg6[%dma_start3A_64, %dma_start3A_65] : memref<10000x128xbf16, #tpu.memory_space<vmem_shared>> -> memref<10000x128xbf16, #tpu.memory_space<vmem_shared>>
        tpu.enqueue_indirect_dma source(%dma_start3A_66 : memref<10000x128xbf16, #tpu.memory_space<vmem_shared>>) target(%arg10 : memref<200x128xbf16, #tpu.memory_space<vmem>>) offsets(%dma_start3A_63 : memref<200xi32, #tpu.memory_space<vmem>>) semaphore(%arg16 : memref<!tpu.dma_semaphore, #tpu.memory_space<semaphore_mem>>)
        %dma_start3A_67 = arith.constant 0 : i32
        %dma_start3A_68 = tpu.memref_slice %arg8[%add3A_60, %dma_start3A_67] : memref<50x200xi32, #tpu.memory_space<vmem>> -> memref<1x200xi32, #tpu.memory_space<vmem>>
        %dma_start3A_69 = tpu.memref_squeeze %dma_start3A_68 : memref<1x200xi32, #tpu.memory_space<vmem>> -> memref<200xi32, #tpu.memory_space<vmem>>
        %dma_start3A_70 = arith.constant 0 : i32
        %dma_start3A_71 = arith.constant 0 : i32
        %dma_start3A_72 = tpu.memref_slice %arg6[%dma_start3A_70, %dma_start3A_71] : memref<10000x128xbf16, #tpu.memory_space<vmem_shared>> -> memref<10000x128xbf16, #tpu.memory_space<vmem_shared>>
        tpu.enqueue_indirect_dma source(%dma_start3A_72 : memref<10000x128xbf16, #tpu.memory_space<vmem_shared>>) target(%arg12 : memref<200x128xbf16, #tpu.memory_space<vmem>>) offsets(%dma_start3A_69 : memref<200xi32, #tpu.memory_space<vmem>>) semaphore(%arg17 : memref<!tpu.dma_semaphore, #tpu.memory_space<semaphore_mem>>)
      } else {
      }
      %parallel_loop3A = arith.constant 0 : i32
      %parallel_loop3A_43 = arith.constant 200 : i32
      %parallel_loop3A_44 = arith.constant 1 : i32
      scf.for %parallel_loop3A_59 = %parallel_loop3A to %parallel_loop3A_43 step %parallel_loop3A_44  : i32 {
        %parallel_loop3A_60 = arith.index_cast %parallel_loop3A_59 : i32 to index
        %parallel_loop3A_61 = arith.constant 0 : index
        %parallel_loop3A_62 = tpu.vector_load %arg9[%parallel_loop3A_60, %parallel_loop3A_61] {strides = array<i32>} : memref<200x128xbf16, #tpu.memory_space<vmem>>, vector<32xbf16>,
        %parallel_loop3A_63 = arith.index_cast %parallel_loop3A_59 : i32 to index
        %parallel_loop3A_64 = arith.constant 0 : index
        %parallel_loop3A_65 = tpu.vector_load %arg11[%parallel_loop3A_63, %parallel_loop3A_64] {strides = array<i32>} : memref<200x128xbf16, #tpu.memory_space<vmem>>, vector<32xbf16>,
        %parallel_loop3A_66 = arith.mulf %parallel_loop3A_62, %parallel_loop3A_65 : vector<32xbf16>
        %parallel_loop3A_67 = arith.index_cast %parallel_loop3A_59 : i32 to index
        %parallel_loop3A_68 = arith.constant 32 : index
        %parallel_loop3A_69 = tpu.vector_load %arg9[%parallel_loop3A_67, %parallel_loop3A_68] {strides = array<i32>} : memref<200x128xbf16, #tpu.memory_space<vmem>>, vector<32xbf16>,
        %parallel_loop3A_70 = arith.index_cast %parallel_loop3A_59 : i32 to index
        %parallel_loop3A_71 = arith.constant 32 : index
        %parallel_loop3A_72 = tpu.vector_load %arg11[%parallel_loop3A_70, %parallel_loop3A_71] {strides = array<i32>} : memref<200x128xbf16, #tpu.memory_space<vmem>>, vector<32xbf16>,
        %parallel_loop3A_73 = arith.mulf %parallel_loop3A_69, %parallel_loop3A_72 : vector<32xbf16>
        %parallel_loop3A_74 = arith.addf %parallel_loop3A_66, %parallel_loop3A_73 : vector<32xbf16>
        %parallel_loop3A_75 = tpu.unpack_subelements %parallel_loop3A_74, 0 {pack_format = #tpu.pack_format<interleaved>} : vector<32xbf16> -> vector<16xf32>
        %parallel_loop3A_76 = tpu.unpack_subelements %parallel_loop3A_74, 1 {pack_format = #tpu.pack_format<interleaved>} : vector<32xbf16> -> vector<16xf32>
        %parallel_loop3A_77 = arith.addf %parallel_loop3A_75, %parallel_loop3A_76 : vector<16xf32>
        %parallel_loop3A_78 = arith.index_cast %parallel_loop3A_59 : i32 to index
        %parallel_loop3A_79 = arith.constant 64 : index
        %parallel_loop3A_80 = tpu.vector_load %arg9[%parallel_loop3A_78, %parallel_loop3A_79] {strides = array<i32>} : memref<200x128xbf16, #tpu.memory_space<vmem>>, vector<32xbf16>,
        %parallel_loop3A_81 = arith.index_cast %parallel_loop3A_59 : i32 to index
        %parallel_loop3A_82 = arith.constant 64 : index
        %parallel_loop3A_83 = tpu.vector_load %arg11[%parallel_loop3A_81, %parallel_loop3A_82] {strides = array<i32>} : memref<200x128xbf16, #tpu.memory_space<vmem>>, vector<32xbf16>,
        %parallel_loop3A_84 = arith.mulf %parallel_loop3A_80, %parallel_loop3A_83 : vector<32xbf16>
        %parallel_loop3A_85 = arith.index_cast %parallel_loop3A_59 : i32 to index
        %parallel_loop3A_86 = arith.constant 96 : index
        %parallel_loop3A_87 = tpu.vector_load %arg9[%parallel_loop3A_85, %parallel_loop3A_86] {strides = array<i32>} : memref<200x128xbf16, #tpu.memory_space<vmem>>, vector<32xbf16>,
        %parallel_loop3A_88 = arith.index_cast %parallel_loop3A_59 : i32 to index
        %parallel_loop3A_89 = arith.constant 96 : index
        %parallel_loop3A_90 = tpu.vector_load %arg11[%parallel_loop3A_88, %parallel_loop3A_89] {strides = array<i32>} : memref<200x128xbf16, #tpu.memory_space<vmem>>, vector<32xbf16>,
        %parallel_loop3A_91 = arith.mulf %parallel_loop3A_87, %parallel_loop3A_90 : vector<32xbf16>
        %parallel_loop3A_92 = arith.addf %parallel_loop3A_84, %parallel_loop3A_91 : vector<32xbf16>
        %parallel_loop3A_93 = tpu.unpack_subelements %parallel_loop3A_92, 0 {pack_format = #tpu.pack_format<interleaved>} : vector<32xbf16> -> vector<16xf32>
        %parallel_loop3A_94 = tpu.unpack_subelements %parallel_loop3A_92, 1 {pack_format = #tpu.pack_format<interleaved>} : vector<32xbf16> -> vector<16xf32>
        %parallel_loop3A_95 = arith.addf %parallel_loop3A_93, %parallel_loop3A_94 : vector<16xf32>
        %parallel_loop3A_96 = arith.addf %parallel_loop3A_77, %parallel_loop3A_95 : vector<16xf32>
        %parallel_loop3A_97 = arith.constant true
        %parallel_loop3A_98 = vector.broadcast %parallel_loop3A_97 : i1 to vector<16xi1>
        %parallel_loop3A_99 = tpu.scan <sum>, %parallel_loop3A_96 masked %parallel_loop3A_98 : vector<16xf32>, vector<16xi1> -> vector<16xf32>
        %parallel_loop3A_100 = arith.constant 200 : i32
        %parallel_loop3A_101 = arith.muli %mul3A_27, %parallel_loop3A_100 : i32
        %parallel_loop3A_102 = arith.addi %parallel_loop3A_101, %parallel_loop3A_59 : i32
        %parallel_loop3A_103 = arith.index_cast %parallel_loop3A_102 : i32 to index
        %parallel_loop3A_104 = tpu.vector_load %arg13[%parallel_loop3A_103] masked %eq3A_6 {strides = array<i32>} : memref<10016xf32, #tpu.memory_space<vmem>>, vector<16xf32>, vector<16xi1>
        tpu.vector_store %arg13[%parallel_loop3A_103], %parallel_loop3A_99 masked %eq3A_6 {strides = array<i32>} : memref<10016xf32, #tpu.memory_space<vmem>>, vector<16xf32>, vector<16xi1>
      } {sc.loop_unroll_factor = 16 : i64, sc.parallel_access}
      %add3A_45 = arith.constant 2 : i32
      %add3A_46 = arith.addi %mul3A_27, %add3A_45 : i32
      %lt3A_47 = arith.constant 50 : i32
      %lt3A_48 = arith.cmpi slt, %add3A_46, %lt3A_47 : i32
      %convert_element_type3A_49 = arith.extui %lt3A_48 : i1 to i32
      %cond3A_50 = arith.constant 0 : i32
      %cond3A_51 = arith.cmpi ne, %convert_element_type3A_49, %cond3A_50 : i32
      scf.if %cond3A_51 {
        %add3A_59 = arith.constant 2 : i32
        %add3A_60 = arith.addi %mul3A_27, %add3A_59 : i32
        %dma_start3A_61 = arith.constant 0 : i32
        %dma_start3A_62 = tpu.memref_slice %arg7[%add3A_60, %dma_start3A_61] : memref<50x200xi32, #tpu.memory_space<vmem>> -> memref<1x200xi32, #tpu.memory_space<vmem>>
        %dma_start3A_63 = tpu.memref_squeeze %dma_start3A_62 : memref<1x200xi32, #tpu.memory_space<vmem>> -> memref<200xi32, #tpu.memory_space<vmem>>
        %dma_start3A_64 = arith.constant 0 : i32
        %dma_start3A_65 = arith.constant 0 : i32
        %dma_start3A_66 = tpu.memref_slice %arg6[%dma_start3A_64, %dma_start3A_65] : memref<10000x128xbf16, #tpu.memory_space<vmem_shared>> -> memref<10000x128xbf16, #tpu.memory_space<vmem_shared>>
        tpu.enqueue_indirect_dma source(%dma_start3A_66 : memref<10000x128xbf16, #tpu.memory_space<vmem_shared>>) target(%arg9 : memref<200x128xbf16, #tpu.memory_space<vmem>>) offsets(%dma_start3A_63 : memref<200xi32, #tpu.memory_space<vmem>>) semaphore(%arg14 : memref<!tpu.dma_semaphore, #tpu.memory_space<semaphore_mem>>)
        %dma_start3A_67 = arith.constant 0 : i32
        %dma_start3A_68 = tpu.memref_slice %arg8[%add3A_60, %dma_start3A_67] : memref<50x200xi32, #tpu.memory_space<vmem>> -> memref<1x200xi32, #tpu.memory_space<vmem>>
        %dma_start3A_69 = tpu.memref_squeeze %dma_start3A_68 : memref<1x200xi32, #tpu.memory_space<vmem>> -> memref<200xi32, #tpu.memory_space<vmem>>
        %dma_start3A_70 = arith.constant 0 : i32
        %dma_start3A_71 = arith.constant 0 : i32
        %dma_start3A_72 = tpu.memref_slice %arg6[%dma_start3A_70, %dma_start3A_71] : memref<10000x128xbf16, #tpu.memory_space<vmem_shared>> -> memref<10000x128xbf16, #tpu.memory_space<vmem_shared>>
        tpu.enqueue_indirect_dma source(%dma_start3A_72 : memref<10000x128xbf16, #tpu.memory_space<vmem_shared>>) target(%arg11 : memref<200x128xbf16, #tpu.memory_space<vmem>>) offsets(%dma_start3A_69 : memref<200xi32, #tpu.memory_space<vmem>>) semaphore(%arg15 : memref<!tpu.dma_semaphore, #tpu.memory_space<semaphore_mem>>)
      } else {
      }
      %add3A_52 = arith.constant 1 : i32
      %add3A_53 = arith.addi %mul3A_27, %add3A_52 : i32
      %lt3A_54 = arith.constant 50 : i32
      %lt3A_55 = arith.cmpi slt, %add3A_53, %lt3A_54 : i32
      %convert_element_type3A_56 = arith.extui %lt3A_55 : i1 to i32
      %cond3A_57 = arith.constant 0 : i32
      %cond3A_58 = arith.cmpi ne, %convert_element_type3A_56, %cond3A_57 : i32
      scf.if %cond3A_58 {
        %dma_wait3A_59 = arith.constant 0 : i32
        %dma_wait3A_60 = arith.constant 0 : i32
        %dma_wait3A_61 = tpu.memref_slice %arg2[%dma_wait3A_59, %dma_wait3A_60] : memref<10000x128xbf16, #tpu.memory_space<hbm>> -> memref<200x128xbf16, #tpu.memory_space<hbm>>
        %dma_wait3A_62 = arith.constant 0 : i32
        %dma_wait3A_63 = arith.constant 0 : i32
        %dma_wait3A_64 = tpu.memref_slice %arg2[%dma_wait3A_62, %dma_wait3A_63] : memref<10000x128xbf16, #tpu.memory_space<hbm>> -> memref<200x128xbf16, #tpu.memory_space<hbm>>
        tpu.wait_dma2 semaphore(%arg16 : memref<!tpu.dma_semaphore, #tpu.memory_space<semaphore_mem>>) src(%dma_wait3A_64 : memref<200x128xbf16, #tpu.memory_space<hbm>>) dst(%arg10 : memref<200x128xbf16, #tpu.memory_space<vmem>>)
        %dma_wait3A_65 = arith.constant 0 : i32
        %dma_wait3A_66 = arith.constant 0 : i32
        %dma_wait3A_67 = tpu.memref_slice %arg2[%dma_wait3A_65, %dma_wait3A_66] : memref<10000x128xbf16, #tpu.memory_space<hbm>> -> memref<200x128xbf16, #tpu.memory_space<hbm>>
        %dma_wait3A_68 = arith.constant 0 : i32
        %dma_wait3A_69 = arith.constant 0 : i32
        %dma_wait3A_70 = tpu.memref_slice %arg2[%dma_wait3A_68, %dma_wait3A_69] : memref<10000x128xbf16, #tpu.memory_space<hbm>> -> memref<200x128xbf16, #tpu.memory_space<hbm>>
        tpu.wait_dma2 semaphore(%arg17 : memref<!tpu.dma_semaphore, #tpu.memory_space<semaphore_mem>>) src(%dma_wait3A_70 : memref<200x128xbf16, #tpu.memory_space<hbm>>) dst(%arg12 : memref<200x128xbf16, #tpu.memory_space<vmem>>)
        %add3A_71 = arith.constant 1 : i32
        %add3A_72 = arith.addi %mul3A_27, %add3A_71 : i32
        %parallel_loop3A_73 = arith.constant 0 : i32
        %parallel_loop3A_74 = arith.constant 200 : i32
        %parallel_loop3A_75 = arith.constant 1 : i32
        scf.for %parallel_loop3A_76 = %parallel_loop3A_73 to %parallel_loop3A_74 step %parallel_loop3A_75  : i32 {
          %parallel_loop3A_77 = arith.index_cast %parallel_loop3A_76 : i32 to index
          %parallel_loop3A_78 = arith.constant 0 : index
          %parallel_loop3A_79 = tpu.vector_load %arg10[%parallel_loop3A_77, %parallel_loop3A_78] {strides = array<i32>} : memref<200x128xbf16, #tpu.memory_space<vmem>>, vector<32xbf16>,
          %parallel_loop3A_80 = arith.index_cast %parallel_loop3A_76 : i32 to index
          %parallel_loop3A_81 = arith.constant 0 : index
          %parallel_loop3A_82 = tpu.vector_load %arg12[%parallel_loop3A_80, %parallel_loop3A_81] {strides = array<i32>} : memref<200x128xbf16, #tpu.memory_space<vmem>>, vector<32xbf16>,
          %parallel_loop3A_83 = arith.mulf %parallel_loop3A_79, %parallel_loop3A_82 : vector<32xbf16>
          %parallel_loop3A_84 = arith.index_cast %parallel_loop3A_76 : i32 to index
          %parallel_loop3A_85 = arith.constant 32 : index
          %parallel_loop3A_86 = tpu.vector_load %arg10[%parallel_loop3A_84, %parallel_loop3A_85] {strides = array<i32>} : memref<200x128xbf16, #tpu.memory_space<vmem>>, vector<32xbf16>,
          %parallel_loop3A_87 = arith.index_cast %parallel_loop3A_76 : i32 to index
          %parallel_loop3A_88 = arith.constant 32 : index
          %parallel_loop3A_89 = tpu.vector_load %arg12[%parallel_loop3A_87, %parallel_loop3A_88] {strides = array<i32>} : memref<200x128xbf16, #tpu.memory_space<vmem>>, vector<32xbf16>,
          %parallel_loop3A_90 = arith.mulf %parallel_loop3A_86, %parallel_loop3A_89 : vector<32xbf16>
          %parallel_loop3A_91 = arith.addf %parallel_loop3A_83, %parallel_loop3A_90 : vector<32xbf16>
          %parallel_loop3A_92 = tpu.unpack_subelements %parallel_loop3A_91, 0 {pack_format = #tpu.pack_format<interleaved>} : vector<32xbf16> -> vector<16xf32>
          %parallel_loop3A_93 = tpu.unpack_subelements %parallel_loop3A_91, 1 {pack_format = #tpu.pack_format<interleaved>} : vector<32xbf16> -> vector<16xf32>
          %parallel_loop3A_94 = arith.addf %parallel_loop3A_92, %parallel_loop3A_93 : vector<16xf32>
          %parallel_loop3A_95 = arith.index_cast %parallel_loop3A_76 : i32 to index
          %parallel_loop3A_96 = arith.constant 64 : index
          %parallel_loop3A_97 = tpu.vector_load %arg10[%parallel_loop3A_95, %parallel_loop3A_96] {strides = array<i32>} : memref<200x128xbf16, #tpu.memory_space<vmem>>, vector<32xbf16>,
          %parallel_loop3A_98 = arith.index_cast %parallel_loop3A_76 : i32 to index
          %parallel_loop3A_99 = arith.constant 64 : index
          %parallel_loop3A_100 = tpu.vector_load %arg12[%parallel_loop3A_98, %parallel_loop3A_99] {strides = array<i32>} : memref<200x128xbf16, #tpu.memory_space<vmem>>, vector<32xbf16>,
          %parallel_loop3A_101 = arith.mulf %parallel_loop3A_97, %parallel_loop3A_100 : vector<32xbf16>
          %parallel_loop3A_102 = arith.index_cast %parallel_loop3A_76 : i32 to index
          %parallel_loop3A_103 = arith.constant 96 : index
          %parallel_loop3A_104 = tpu.vector_load %arg10[%parallel_loop3A_102, %parallel_loop3A_103] {strides = array<i32>} : memref<200x128xbf16, #tpu.memory_space<vmem>>, vector<32xbf16>,
          %parallel_loop3A_105 = arith.index_cast %parallel_loop3A_76 : i32 to index
          %parallel_loop3A_106 = arith.constant 96 : index
          %parallel_loop3A_107 = tpu.vector_load %arg12[%parallel_loop3A_105, %parallel_loop3A_106] {strides = array<i32>} : memref<200x128xbf16, #tpu.memory_space<vmem>>, vector<32xbf16>,
          %parallel_loop3A_108 = arith.mulf %parallel_loop3A_104, %parallel_loop3A_107 : vector<32xbf16>
          %parallel_loop3A_109 = arith.addf %parallel_loop3A_101, %parallel_loop3A_108 : vector<32xbf16>
          %parallel_loop3A_110 = tpu.unpack_subelements %parallel_loop3A_109, 0 {pack_format = #tpu.pack_format<interleaved>} : vector<32xbf16> -> vector<16xf32>
          %parallel_loop3A_111 = tpu.unpack_subelements %parallel_loop3A_109, 1 {pack_format = #tpu.pack_format<interleaved>} : vector<32xbf16> -> vector<16xf32>
          %parallel_loop3A_112 = arith.addf %parallel_loop3A_110, %parallel_loop3A_111 : vector<16xf32>
          %parallel_loop3A_113 = arith.addf %parallel_loop3A_94, %parallel_loop3A_112 : vector<16xf32>
          %parallel_loop3A_114 = arith.constant true
          %parallel_loop3A_115 = vector.broadcast %parallel_loop3A_114 : i1 to vector<16xi1>
          %parallel_loop3A_116 = tpu.scan <sum>, %parallel_loop3A_113 masked %parallel_loop3A_115 : vector<16xf32>, vector<16xi1> -> vector<16xf32>
          %parallel_loop3A_117 = arith.constant 200 : i32
          %parallel_loop3A_118 = arith.muli %add3A_72, %parallel_loop3A_117 : i32
          %parallel_loop3A_119 = arith.addi %parallel_loop3A_118, %parallel_loop3A_76 : i32
          %parallel_loop3A_120 = arith.index_cast %parallel_loop3A_119 : i32 to index
          %parallel_loop3A_121 = tpu.vector_load %arg13[%parallel_loop3A_120] masked %eq3A_6 {strides = array<i32>} : memref<10016xf32, #tpu.memory_space<vmem>>, vector<16xf32>, vector<16xi1>
          tpu.vector_store %arg13[%parallel_loop3A_120], %parallel_loop3A_116 masked %eq3A_6 {strides = array<i32>} : memref<10016xf32, #tpu.memory_space<vmem>>, vector<16xf32>, vector<16xi1>
        } {sc.loop_unroll_factor = 16 : i64, sc.parallel_access}
      } else {
      }
    }
    %scan3A_24 = arith.constant 25 : i32
    "tpu.region"() ({
      %run_scoped3A = tpu.sem_alloc : memref<!tpu.dma_semaphore, #tpu.memory_space<semaphore_mem>>
      %dma_start3A_25 = arith.constant 0 : i32
      %dma_start3A_26 = tpu.memref_slice %arg13[%dma_start3A_25] : memref<10016xf32, #tpu.memory_space<vmem>> -> memref<10000xf32, #tpu.memory_space<vmem>>
      %dma_start3A_27 = arith.constant 0 : i32
      %dma_start3A_28 = tpu.memref_slice %arg5[%add3A, %dma_start3A_27] : memref<32x10000xf32, #tpu.memory_space<hbm>> -> memref<1x10000xf32, #tpu.memory_space<hbm>>
      %dma_start3A_29 = tpu.memref_squeeze %dma_start3A_28 : memref<1x10000xf32, #tpu.memory_space<hbm>> -> memref<10000xf32, #tpu.memory_space<hbm>>
      %dma_start3A_30 = arith.constant 0 : i32
      %dma_start3A_31 = tpu.memref_slice %arg5[%add3A, %dma_start3A_30] : memref<32x10000xf32, #tpu.memory_space<hbm>> -> memref<1x10000xf32, #tpu.memory_space<hbm>>
      %dma_start3A_32 = tpu.memref_squeeze %dma_start3A_31 : memref<1x10000xf32, #tpu.memory_space<hbm>> -> memref<10000xf32, #tpu.memory_space<hbm>>
      %dma_start3A_33 = arith.constant 0 : i32
      %dma_start3A_34 = tpu.memref_slice %arg13[%dma_start3A_33] : memref<10016xf32, #tpu.memory_space<vmem>> -> memref<10000xf32, #tpu.memory_space<vmem>>
      tpu.enqueue_dma source(%dma_start3A_34 : memref<10000xf32, #tpu.memory_space<vmem>>) target(%dma_start3A_32 : memref<10000xf32, #tpu.memory_space<hbm>>) target_semaphore(%run_scoped3A : memref<!tpu.dma_semaphore, #tpu.memory_space<semaphore_mem>>)
      %dma_wait3A = arith.constant 0 : i32
      %dma_wait3A_35 = tpu.memref_slice %arg13[%dma_wait3A] : memref<10016xf32, #tpu.memory_space<vmem>> -> memref<10000xf32, #tpu.memory_space<vmem>>
      %dma_wait3A_36 = arith.constant 0 : i32
      %dma_wait3A_37 = tpu.memref_slice %arg5[%add3A, %dma_wait3A_36] : memref<32x10000xf32, #tpu.memory_space<hbm>> -> memref<1x10000xf32, #tpu.memory_space<hbm>>
      %dma_wait3A_38 = tpu.memref_squeeze %dma_wait3A_37 : memref<1x10000xf32, #tpu.memory_space<hbm>> -> memref<10000xf32, #tpu.memory_space<hbm>>
      %dma_wait3A_39 = arith.constant 0 : i32
      %dma_wait3A_40 = tpu.memref_slice %arg5[%add3A, %dma_wait3A_39] : memref<32x10000xf32, #tpu.memory_space<hbm>> -> memref<1x10000xf32, #tpu.memory_space<hbm>>
      %dma_wait3A_41 = tpu.memref_squeeze %dma_wait3A_40 : memref<1x10000xf32, #tpu.memory_space<hbm>> -> memref<10000xf32, #tpu.memory_space<hbm>>
      %dma_wait3A_42 = arith.constant 0 : i32
      %dma_wait3A_43 = tpu.memref_slice %arg13[%dma_wait3A_42] : memref<10016xf32, #tpu.memory_space<vmem>> -> memref<10000xf32, #tpu.memory_space<vmem>>
      tpu.wait_dma2 semaphore(%run_scoped3A : memref<!tpu.dma_semaphore, #tpu.memory_space<semaphore_mem>>) src(%dma_wait3A_43 : memref<10000xf32, #tpu.memory_space<vmem>>) dst(%dma_wait3A_41 : memref<10000xf32, #tpu.memory_space<hbm>>)
      tpu.yield
    }) : () -> ()
    return
  }
}

</mosaic_0001>

<sc_bundles>
// kernel: kernel.3.cloned.1.call-start
scs
__scs_entry_jumppad:
0x0: {  	(pc) =	sbr.rel $0x88, $3  }
0x1: {  	(tag) =	ssettag $0x0;
	lr =	simm.s32 $0x1  }
0x2: {  	[smem:$0x3F9F] =	sst lr;
	_ =	strace $0xD0000000  }
0x3: {  	_ = 	snop  }
0x4: {  	_ = 	snop  }
0x5: {  	_ = 	snop  }
0x6: {  	_ = 	snop  }
0x7: {  	_ = 	snop  }
__scs_overlays_trampoline_lowered:
0x8: {  	[smem:$0x3FAE] =	sst s0  }
0x9: {  	[smem:$0x3FAF] =	sst s1  }
0xa: {  	[smem:$0x3FB0] =	sst s2  }
0xb: {  	[smem:$0x3FB1] =	sst s3  }
0xc: {  	[smem:$0x3FB2] =	sst s4  }
0xd: {  	[smem:$0x3FB3] =	sst s5  }
0xe: {  	[smem:$0x3FB4] =	sst s6  }
0xf: {  	[smem:$0x3FB5] =	sst s7  }
0x10: {  	[smem:$0x3FB6] =	sst s8  }
0x11: {  	[smem:$0x3FB7] =	sst s9;
	s0 =	simm.s32 @!p0 $0x0  }
0x12: {  	s1 =	sld [smem:$0x3F9D];
	s0 =	simm.s32 @p0 $0x1  }
0x13: {  	[smem:$0x3FB8] =	sst s0;
	s0 =	simm.s32 @!p1 $0x0  }
0x14: {  	s2 =	sld [smem:$0x3F9C];
	s0 =	simm.s32 @p1 $0x1  }
0x15: {  	[smem:$0x3FB9] =	sst s0;
	s0 =	simm.s32 @!p2 $0x0  }
0x16: {  	s3 =	sld [smem:$0x3FDB];
	s0 =	simm.s32 @p2 $0x1  }
0x17: {  	s4 =	simm.s32 $0x1BF5;
	[smem:$0x3FBB] =	sst s0  }
0x18: {  	s0 =	sld [smem:$0x3F9E];
	_ =	swait.ge [sflag:s4], $0x0  }
0x19: {  	s7 =	sld [smem:$0x3F9F]  }
0x1a: {  	s8 =	sadd.s32 $0xFFFFE003, lr  }
0x1b: {  	s9 =	sadd.s32 $0xFFFFFEF7, lr;
	s5 =	simm.s32 $0xFFFFFFFF;
	p2 =	slt.u32 s8, $0xFFFFF086  }
0x1c: {  	p1 =	slt.u32 s9, $0xF7A;
	s5 =	simm.s32 @!p2 $0x0  }
0x1d: {  	s5 =	simm.s32 @p1 $0x1;
	p0 =	seq.s32 s7, s2  }
0x1e: {  	s7 =	smul.u32 @!p0 $0xF7A, s2;
	p2 =	seq.s32 @!p0 s5, $0x0  }
0x1f: {  	s9 =	smul.u32 $0xF7A, s1;
	s8 =	simm.s32 @!p0 $0x1BF5;
	p2 =	por !p2, p0  }
0x20: {  	[sflag:s8] =	ssyncset.s32 @!p0 $0xFFFFF086;
	s6 =	sadd.s32 @!p0 s3, s7;
	s7 =	simm.s32 @!p0 $0x108  }
0x21: {  	s3 =	sadd.s32 s3, s9;
	s6 =	sadd.s32 @!p0 $0x88, s6;
	s7 =	simm.s32 @p2 $0x1082  }
0x22: {  	[simem:s7], [sflag:s8] =	dma.local @!p0 [hbm:s6], $0xF7A  }
0x23: {  	s9 =	sor.u32 $0xD0000000, s2;
	s6 =	simm.s32 $0x108;
	_ =	swait.ge @!p0 [sflag:s8], $0x0  }
0x24: {  	s3 =	sadd.s32 $0x88, s3;
	s6 =	simm.s32 @!p1 $0x1082;
	[sflag:s4] =	ssyncset.s32 $0xFFFFF086  }
0x25: {  	[simem:s6], [sflag:s4] =	dma.local [hbm:s3], $0xF7A  }
0x26: {  	[smem:$0x3F9F] =	sst s1;
	(tag) =	ssettag s2;
	_ =	strace s9  }
0x27: {  	s1 =	sld [smem:$0x3FAF]  }
0x28: {  	s2 =	sld [smem:$0x3FB0]  }
0x29: {  	s4 =	sld [smem:$0x3FB2]  }
0x2a: {  	p0 =	seq.s32 s5, $0x0;
	s5 =	sld [smem:$0x3FB3]  }
0x2b: {  	s6 =	sld [smem:$0x3FB4]  }
0x2c: {  	s7 =	sld [smem:$0x3FB5]  }
0x2d: {  	s3 =	simm.s32 $0x108;
	s8 =	sld [smem:$0x3FB6]  }
0x2e: {  	s3 =	simm.s32 @!p0 $0x1082;
	s9 =	sld [smem:$0x3FB7]  }
0x2f: {  	lr =	sadd.s32 s0, s3;
	s0 =	sld [smem:$0x3FAE]  }
0x30: {  	s3 =	sld [smem:$0x3FB1]  }
0x31: {  	[smem:$0x3FBA] =	sst s10  }
0x32: {  	s10 =	sld [smem:$0x3FB8];
	_ =	sdelay $0x3  }
0x33: {  	p0 =	seq.s32 s10, $0x1;
	s10 =	sld [smem:$0x3FBA];
	_ =	sdelay $0x3  }
0x34: {  	[smem:$0x3FBA] =	sst s10  }
0x35: {  	s10 =	sld [smem:$0x3FB9];
	_ =	sdelay $0x3  }
0x36: {  	p1 =	seq.s32 s10, $0x1;
	s10 =	sld [smem:$0x3FBA];
	_ =	sdelay $0x3  }
0x37: {  	[smem:$0x3FBA] =	sst s10  }
0x38: {  	s10 =	sld [smem:$0x3FBB]  }
0x39: {  	_ = 	snop;
	(pc) =	sbr.ind lr, $3  }
0x3a: {  	_ = 	snop  }
0x3b: {  	_ = 	snop  }
0x3c: {  	p2 =	seq.s32 s10, $0x1;
	s10 =	sld [smem:$0x3FBA]  }
0x3d: {  	_ =	shalt  }
0x3e: {  	_ =	shalt  }
0x3f: {  	_ =	shalt  }
0x40: {  	_ =	shalt  }
0x41: {  	_ =	shalt  }
0x42: {  	_ =	shalt  }
0x43: {  	_ =	shalt  }
0x44: {  	_ =	shalt  }
0x45: {  	_ =	shalt  }
0x46: {  	_ =	shalt  }
0x47: {  	_ =	shalt  }
0x48: {  	_ =	shalt  }
0x49: {  	_ =	shalt  }
0x4a: {  	_ =	shalt  }
0x4b: {  	_ =	shalt  }
0x4c: {  	_ =	shalt  }
0x4d: {  	_ =	shalt  }
0x4e: {  	_ =	shalt  }
0x4f: {  	_ =	shalt  }
0x50: {  	_ =	shalt  }
0x51: {  	_ =	shalt  }
0x52: {  	_ =	shalt  }
0x53: {  	_ =	shalt  }
0x54: {  	_ =	shalt  }
0x55: {  	_ =	shalt  }
0x56: {  	_ =	shalt  }
0x57: {  	_ =	shalt  }
0x58: {  	_ =	shalt  }
0x59: {  	_ =	shalt  }
0x5a: {  	_ =	shalt  }
0x5b: {  	_ =	shalt  }
0x5c: {  	_ =	shalt  }
0x5d: {  	_ =	shalt  }
0x5e: {  	_ =	shalt  }
0x5f: {  	_ =	shalt  }
0x60: {  	_ =	shalt  }
0x61: {  	_ =	shalt  }
0x62: {  	_ =	shalt  }
0x63: {  	_ =	shalt  }
0x64: {  	_ =	shalt  }
0x65: {  	_ =	shalt  }
0x66: {  	_ =	shalt  }
0x67: {  	_ =	shalt  }
0x68: {  	_ =	shalt  }
0x69: {  	_ =	shalt  }
0x6a: {  	_ =	shalt  }
0x6b: {  	_ =	shalt  }
0x6c: {  	_ =	shalt  }
0x6d: {  	_ =	shalt  }
0x6e: {  	_ =	shalt  }
0x6f: {  	_ =	shalt  }
0x70: {  	_ =	shalt  }
0x71: {  	_ =	shalt  }
0x72: {  	_ =	shalt  }
0x73: {  	_ =	shalt  }
0x74: {  	_ =	shalt  }
0x75: {  	_ =	shalt  }
0x76: {  	_ =	shalt  }
0x77: {  	_ =	shalt  }
0x78: {  	_ =	shalt  }
0x79: {  	_ =	shalt  }
0x7a: {  	_ =	shalt  }
0x7b: {  	_ =	shalt  }
0x7c: {  	_ =	shalt  }
0x7d: {  	_ =	shalt  }
0x7e: {  	_ =	shalt  }
0x7f: {  	_ =	shalt  }
0x80: {  	_ =	shalt  }
0x81: {  	_ =	shalt  }
0x82: {  	_ =	shalt  }
0x83: {  	_ =	shalt  }
0x84: {  	_ =	shalt  }
0x85: {  	_ =	shalt  }
0x86: {  	_ =	shalt  }
0x87: {  	_ =	shalt  }
.Lfunc_end0:
.L_simem_size_0:
called_computation_lowered:
.L_overlay_start_0:
0x88: {  	s2 =	sld [smem:$0x3FD9]  }
0x89: {  	s3 =	sld [smem:$0x3FFE];
	_ =	sdelay $0x1  }
0x8a: {  	s1 =	srdreg.scid  }
0x8b: {  	s0 =	sand.u32 $0x1, s1  }
0x8c: {  	s17 =	sshll.u32 s0, $0xA;
	s2 =	sadd.s32 s3, s2  }
0x8d: {  	s2 =	sadd.s32 s2, s17  }
0x8e: {  	[smem:$0x3FC6] =	sst s2  }
0x8f: {  	_ = 	snop  }
0x90: {  	s2 =	sld [smem:$0x3FD0];
	(tm) =	ssettm $0x1  }
0x91: {  	s18 =	sld [smem:$0x3FFB];
	_ =	sdelay $0x3  }
0x92: {  	_ =	strace s18  }
0x93: {  	s3 =	sld [smem:$0x3FFC];
	_ =	sdelay $0x3  }
0x94: {  	_ =	strace s3  }
0x95: {  	s3 =	sld [smem:$0x3FFD];
	_ =	sdelay $0x3  }
0x96: {  	_ =	strace s3  }
0x97: {  	_ =	strace $0x8FFFFFFF  }
0x98: {  	s19 =	sld [smem:$0x3FDB];
	_ =	sdelay $0x1  }
0x99: {  	s4 =	simm.s32 $_scs_section_size  }
0x9a: {  	s5 =	simm.s32 $_size__tile_overlayer_lowered;
	s6 =	simm.s32 $_tile_overlayer_lowered  }
0x9b: {  	s22 =	simm.s32 $0x1BFF;
	s21 =	sshll.u32 s6, $0x1;
	s3 =	sadd.s32 s4, s19  }
0x9c: {  	s7 =	simm.s32 $0x0;
	s20 =	sshll.u32 s5, $0x1;
	s5 =	sadd.s32 s21, s3  }
0x9d: {  	[timem:s7], [sflag:s22] =	dma.local [hbm:s5], s20  }
0x9e: {  	_ =	swait.ge [sflag:s22], s20  }
0x9f: {  	s4 =	ssub.s32 $0x0, s20;
	[sflag:s22] =	ssyncset.done $0x0  }
0xa0: {  	[sflag:s22] =	ssyncadd.s32 s4;
	_ =	sdelay $0x1  }
0xa1: {  	s23 =	simm.s32 $0x1B8B  }
0xa2: {  	_ =	swait.ge [sflag:s23], $0x1  }
0xa3: {  	[sflag:s23] =	ssyncset.done $0x0  }
0xa4: {  	s25 =	simm.s32 $0x1B8E;
	s24 =	sld [smem:$0x3FFE];
	[sflag:s23] =	ssyncadd.s32 $0xFFFFFFFF  }
0xa5: {  	s26 =	simm.s32 $execute0_lowered;
	[smem:$0x3FD2] =	sst s25  }
0xa6: {  	s5 =	sshll.u32 s26, $0x1;
	_ =	strace $0x80000046;
	[dreg:$0x1] =	wrdreg $0xFFFFFFFF  }
0xa7: {  	s28 =	simm.s32 $_size_execute0_lowered;
	s3 =	sadd.s32 s3, s5;
	[dreg:$0x0] =	wrdreg $0x0  }
0xa8: {  	s5 =	sshll.u32 s28, $0x1;
	[dreg:$0x2] =	wrdreg s3  }
0xa9: {  	[dreg:$0x3] =	wrdreg s5  }
0xaa: {  	[dreg:$0x4] =	wrdreg $0xC0  }
0xab: {  	_ =	task [dreg:s7], $0x5FFFF  }
0xac: {  	[dreg:$0x1] =	wrdreg $0xFFFFFFFF  }
0xad: {  	[dreg:$0x0] =	wrdreg $0x60  }
0xae: {  	[dreg:$0x2] =	wrdreg s24  }
0xaf: {  	[dreg:$0x3] =	wrdreg s2  }
0xb0: {  	[dreg:$0x4] =	wrdreg $0x0  }
0xb1: {  	[dreg:$0x5] =	wrdreg $0x9  }
0xb2: {  	_ =	task.clear_ibuf [dreg:s7], $0x6FFFF;
	_ =	strace $0x90000046  }
0xb3: {  	s29 =	simm.s32 $0x9;
	_ =	strace $0x80000048  }
0xb4: {  	_ =	swait.ge [sflag:s29], $0x1  }
0xb5: {  	[sflag:s29] =	ssyncadd.s32 $0xFFFFFFFF  }
0xb6: {  	_ =	strace $0x90000048  }
0xb7: {  	_ =	sfence  }
0xb8: {  	s30 =	sld [smem:$0x0];
	_ =	sdelay $0x2  }
0xb9: {  	s31 =	sshll.u32 s1, $0xD;
	s1 =	sshrl.u32 s1, $0x2  }
0xba: {  	s3 =	sand.u32 $0x4000, s31;
	s1 =	sadd.s32 s1, s30  }
0xbb: {  	s0 =	sor.u32 s3, s0;
	s1 =	sshll.u32 s1, $0x11  }
0xbc: {  	s0 =	sor.u32 s1, s0  }
0xbd: {  	s0 =	sadd.s32 $0x8F2B, s0  }
0xbe: {  	[sflag:s0] =	ssyncadd.remote.s32 $0x1  }
0xbf: {  	_ =	sfence.sel $0xFFFF  }
0xc0: {  	[dreg:$0x0] =	wrdreg $0xFFFFFFFF;
	(pc) =	sbr.abs _section_cstart, $3  }
0xc1: {  	[dreg:$0x1] =	wrdreg $0xFFFFFFFF  }
0xc2: {  	_ =	task.clear_ibuf [dreg:s7], $0x2FFFF;
	_ =	strace $0x9FFFFFFF  }
0xc3: {  	(tm) =	ssettm $0x7FFFFFFF  }
tec
execute0_lowered:
.L_overlay_start_1:
0x0: {  	(tag) =	ssettag $0x1  }
0x1: {  	s0 =	rddreg [dreg:$0x0];
	s1 =	srdreg.scid  }
0x2: {  	s6 =	stileid.u32;
	s8 =	rddreg [dreg:$0x1]  }
0x3: {  	s2 =	rddreg [dreg:$0x2];
	s11 =	simm.s32 $0x5;
	s12 =	simm.s32 $0x9C40  }
0x4: {  	s13 =	simm.s32 $0xC350;
	s14 =	simm.s32 $0xC8;
	s17 =	simm.s32 $0x1  }
0x5: {  	s18 =	simm.s32 $0x2;
	s19 =	simm.s32 $0x11C60;
	s20 =	simm.s32 $0x18060  }
0x6: {  	s21 =	simm.s32 $0x3;
	s22 =	simm.s32 $0x4;
	s23 =	simm.s32 $0x1B260  }
0x7: {  	s24 =	simm.s32 $0x0;
	s1 =	sand.u32 $0x1, s1;
	s3 =	sshll.u32 s6, $0x1  }
0x8: {  	s29 =	smul.u32 $0x13880, s6;
	s31 =	sshll.u32 s6, $0x6;
	s4 =	sor.u32 s1, s3  }
0x9: {  	s3 =	simm.s32 $0x0;
	s1 =	ssub.s32 $0x2, s1;
	s9 =	smul.u32 $0x4E2, s4  }
0xa: {  	[smem:$0x7FF] =	sst s3;
	s5 =	sshrl.u32 s1, $0x1;
	s30 =	sshrl.u32 s29, $0x1  }
0xb: {  	s4 =	sshrl.u32 s29, $0x4;
	_ =	strace $0x80000047;
	s1 =	ssub.s32 s1, s5  }
0xc: {  	s10 =	sadd.s32 s30, s2;
	s4 =	sadd.s32 s0, s4;
	s5 =	sor.u32 $0x1C05, s31  }
0xd: {  	s7 =	sadd.s32 s9, s0;
	s8 =	sadd.s32 s8, s9;
	s9 =	smax.u32 s1, $0x1  }
0xe: {  	vm0 =	vcmask $0x3F3C;
	s10 =	sshrl.u32 s10, $0x3;
	s6 =	sadd.s32 $0x1D800, s7;
	s7 =	sadd.s32 $0x13A00, s7  }
.LBB2_1:
0xf: {  	[spmem:s10], [sflag:s5] =	dma.local [hbm:s4], $0x1388  }
0x10: {  	_ =	swait.ge [sflag:s11], $0x1388  }
0x11: {  	[sflag:s11] =	ssyncset.done $0x0  }
0x12: {  	[sflag:s11] =	ssyncadd.s32 $0xFFFFEC78  }
0x13: {  	[bflag:$0x0] =	sbarrier.arrive $0xFFFF  }
0x14: {  	[tilespmem:s12], [sflag:$0x5] =	stream.linear.gather [hbm4b:s6+s3], $0x2710, $0x38;
	[tilespmem:$0x1D980] =	vst v63  }
0x15: {  	_ =	swait.ge [sflag:s11], $0x2710  }
0x16: {  	[sflag:s11] =	ssyncset.done $0x0  }
0x17: {  	[sflag:s11] =	ssyncadd.s32 $0xFFFFD8F0  }
0x18: {  	[tilespmem:s13], [sflag:$0x5] =	stream.linear.gather [hbm4b:s7+s3], $0x2710, $0x38;
	[tilespmem:$0x1D980] =	vst v63  }
0x19: {  	_ =	swait.ge [sflag:s11], $0x2710  }
0x1a: {  	s0 =	simm.s32 $0xEA60;
	s31 =	simm.s32 $0x14E60;
	[sflag:s11] =	ssyncset.done $0x0  }
0x1b: {  	s1 =	simm.s32 $0x1B26F;
	s26 =	simm.s32 $0x1B320;
	[sflag:s11] =	ssyncadd.s32 $0xFFFFD8F0  }
0x1c: {  	[tilespmem:s0], [sflag:$0x1] =	stream.indirect.gather [spmem:s2], $0x40, s12, s14, $0xb8;
	[tilespmem:$0x1D980] =	vst v63  }
0x1d: {  	s28 =	simm.s32 $0x1B337;
	s29 =	simm.s32 $0x1B3E8;
	s30 =	simm.s32 $0x0  }
0x1e: {  	[tilespmem:s31], [sflag:$0x2] =	stream.indirect.gather [spmem:s2], $0x40, s13, s14, $0xb8;
	[tilespmem:$0x1D980] =	vst v63  }
.LBB2_2:
0x1f: {  	_ =	swait.ge [sflag:s17], $0x3200  }
0x20: {  	[sflag:s17] =	ssyncset.done $0x0  }
0x21: {  	s0 =	sshllo.u32 s30, $0x1;
	[sflag:s17] =	ssyncadd.s32 $0xFFFFCE00  }
0x22: {  	s0 =	smul.u32 $0xC8, s0;
	_ =	swait.ge [sflag:s18], $0x3200  }
0x23: {  	[sflag:s18] =	ssyncset.done $0x0  }
0x24: {  	s15 =	sadd.s32 $0x9C40, s0;
	[sflag:s18] =	ssyncadd.s32 $0xFFFFCE00  }
0x25: {  	[tilespmem:s19], [sflag:$0x3] =	stream.indirect.gather [spmem:s2], $0x40, s15, s14, $0xb8;
	[tilespmem:$0x1D980] =	vst v63  }
0x26: {  	s25 =	simm.s32 $0xEC60;
	s0 =	sadd.s32 $0xC350, s0  }
0x27: {  	[tilespmem:s20], [sflag:$0x4] =	stream.indirect.gather [spmem:s2], $0x40, s0, s14, $0xb8;
	[tilespmem:$0x1D980] =	vst v63  }
0x28: {  	s31 =	simm.s32 $0x15060;
	v7 =	vld [tilespmem:s25+$0x1C0]  }
0x29: {  	v8 =	vld [tilespmem:s31+$0x1C0]  }
0x2a: {  	v9 =	vld [tilespmem:s25+$0x1D0]  }
0x2b: {  	v10 =	vld [tilespmem:s31+$0x1D0]  }
0x2c: {  	v11 =	vld [tilespmem:s25+$0x1E0]  }
0x2d: {  	v12 =	vld [tilespmem:s31+$0x1E0]  }
0x2e: {  	v13 =	vld [tilespmem:s25+$0x1F0]  }
0x2f: {  	v14 =	vld [tilespmem:s31+$0x1F0]  }
0x30: {  	v0 =	vld [tilespmem:s31+$0xFFFFFE00]  }
0x31: {  	v1 =	vld [tilespmem:s25+$0xFFFFFE10]  }
0x32: {  	v3 =	vld [tilespmem:s25+$0xFFFFFE20]  }
0x33: {  	v4 =	vld [tilespmem:s31+$0xFFFFFE20]  }
0x34: {  	v15 =	vld [tilespmem:s25+$0xFFFFFE40]  }
0x35: {  	v16 =	vld [tilespmem:s31+$0xFFFFFE40]  }
0x36: {  	v17 =	vld [tilespmem:s25+$0xFFFFFE50]  }
0x37: {  	v18 =	vld [tilespmem:s31+$0xFFFFFE50]  }
0x38: {  	v19 =	vld [tilespmem:s25+$0xFFFFFE60]  }
0x39: {  	v20 =	vld [tilespmem:s31+$0xFFFFFE60]  }
0x3a: {  	v21 =	vld [tilespmem:s25+$0xFFFFFE70]  }
0x3b: {  	v22 =	vld [tilespmem:s31+$0xFFFFFE70]  }
0x3c: {  	v23 =	vld [tilespmem:s25+$0xFFFFFE80]  }
0x3d: {  	v24 =	vld [tilespmem:s31+$0xFFFFFE80]  }
0x3e: {  	v25 =	vld [tilespmem:s25+$0xFFFFFE90]  }
0x3f: {  	v26 =	vld [tilespmem:s31+$0xFFFFFE90]  }
0x40: {  	v27 =	vld [tilespmem:s25+$0xFFFFFEA0]  }
0x41: {  	v28 =	vld [tilespmem:s31+$0xFFFFFEA0]  }
0x42: {  	v29 =	vld [tilespmem:s25+$0xFFFFFEB0]  }
0x43: {  	v30 =	vld [tilespmem:s31+$0xFFFFFEB0]  }
0x44: {  	v31 =	vld [tilespmem:s25+$0xFFFFFEC0]  }
0x45: {  	v32 =	vld [tilespmem:s31+$0xFFFFFEC0]  }
0x46: {  	v33 =	vld [tilespmem:s25+$0xFFFFFED0]  }
0x47: {  	v34 =	vld [tilespmem:s31+$0xFFFFFED0]  }
0x48: {  	v35 =	vld [tilespmem:s25+$0xFFFFFEE0]  }
0x49: {  	v36 =	vld [tilespmem:s31+$0xFFFFFEE0]  }
0x4a: {  	v37 =	vld [tilespmem:s25+$0xFFFFFEF0]  }
0x4b: {  	v38 =	vld [tilespmem:s31+$0xFFFFFEF0]  }
0x4c: {  	v39 =	vld [tilespmem:s25+$0xFFFFFF00]  }
0x4d: {  	v40 =	vld [tilespmem:s31+$0xFFFFFF00]  }
0x4e: {  	v41 =	vld [tilespmem:s25+$0xFFFFFF10]  }
0x4f: {  	v42 =	vld [tilespmem:s31+$0xFFFFFF10]  }
0x50: {  	v43 =	vld [tilespmem:s25+$0xFFFFFF20]  }
0x51: {  	v44 =	vld [tilespmem:s31+$0xFFFFFF20]  }
0x52: {  	v45 =	vld [tilespmem:s25+$0xFFFFFF30]  }
0x53: {  	v46 =	vld [tilespmem:s31+$0xFFFFFF30]  }
0x54: {  	v47 =	vld [tilespmem:s25+$0xFFFFFF40]  }
0x55: {  	v48 =	vld [tilespmem:s31+$0xFFFFFF40]  }
0x56: {  	v49 =	vld [tilespmem:s25+$0xFFFFFF50]  }
0x57: {  	v50 =	vld [tilespmem:s31+$0xFFFFFF50]  }
0x58: {  	v51 =	vld [tilespmem:s25+$0xFFFFFF60]  }
0x59: {  	v52 =	vld [tilespmem:s31+$0xFFFFFF60]  }
0x5a: {  	v53 =	vld [tilespmem:s25+$0xFFFFFF70]  }
0x5b: {  	v54 =	vld [tilespmem:s31+$0xFFFFFF70]  }
0x5c: {  	v55 =	vld [tilespmem:s25+$0xFFFFFF80]  }
0x5d: {  	v7 =	vmul.bf16 v8, v7;
	v8 =	vmul.bf16 v10, v9;
	v9 =	vld [tilespmem:s31+$0xFFFFFF80]  }
0x5e: {  	v10 =	vmul.bf16 v12, v11;
	v12 =	vld [tilespmem:s25+$0xFFFFFF90]  }
0x5f: {  	v11 =	vmul.bf16 v14, v13;
	v13 =	vld [tilespmem:s31+$0xFFFFFF90]  }
0x60: {  	v14 =	vmul.bf16 v16, v15;
	v15 =	vld [tilespmem:s31+$0xFFFFFFA0]  }
0x61: {  	v17 =	vmul.bf16 v18, v17;
	v18 =	vld [tilespmem:s25+$0xFFFFFFB0]  }
0x62: {  	v63 =	vmul.bf16 v20, v19;
	v19 =	vld [tilespmem:s25+$0xFFFFFFC0]  }
0x63: {  	v56 =	vmul.bf16 v22, v21;
	v21 =	vld [tilespmem:s31+$0xFFFFFFC0]  }
0x64: {  	v57 =	vmul.bf16 v26, v25;
	v59 =	vmul.bf16 v28, v27;
	v25 =	vld [tilespmem:s25+$0xFFFFFFE0]  }
0x65: {  	v60 =	vmul.bf16 v30, v29;
	v26 =	vld [tilespmem:s25+$0xFFFFFFF0];
	v34 =	vmul.bf16 v34, v33  }
0x66: {  	v29 =	vld [tilespmem:s31+$0xFFFFFFF0];
	v35 =	vmul.bf16 v36, v35;
	v36 =	vmul.bf16 v38, v37  }
0x67: {  	v22 =	vld [tilespmem:s31+$0x0];
	v39 =	vmul.bf16 v40, v39;
	v42 =	vmul.bf16 v42, v41;
	v7 =	vadd.bf16 v8, v7  }
0x68: {  	v27 =	vld [tilespmem:s25+$0x10];
	v44 =	vmul.bf16 v44, v43;
	v8 =	vadd.bf16 v11, v10;
	v14 =	vadd.bf16 v17, v14  }
0x69: {  	v41 =	vld [tilespmem:s31+$0x40];
	v16 =	vadd.bf16 v56, v63;
	v20 =	vadd.bf16 v60, v59;
	v63 =	vmul.bf16 v32, v31  }
0x6a: {  	v10 =	vld [tilespmem:s25+$0xFFFFFFA0];
	v38 =	vadd.bf16 v36, v35;
	v30 =	vadd.bf16 v42, v39;
	v56 =	vmul.bf16 v46, v45  }
0x6b: {  	v17 =	vld [tilespmem:s25+$0xFFFFFFD0];
	v60 =	vmul.bf16 v52, v51;
	v11 =	vunpack.i.u.bf16.f32 v7;
	v7 =	vunpack.i.l.bf16.f32 v7  }
0x6c: {  	v31 =	vld [tilespmem:s25+$0x0];
	v62 =	vunpack.i.u.bf16.f32 v8;
	v8 =	vunpack.i.l.bf16.f32 v8;
	v58 =	vunpack.i.u.bf16.f32 v14  }
0x6d: {  	v35 =	vld [tilespmem:s25+$0x20];
	v14 =	vunpack.i.l.bf16.f32 v14;
	v61 =	vunpack.i.u.bf16.f32 v16;
	v16 =	vunpack.i.l.bf16.f32 v16  }
0x6e: {  	v36 =	vld [tilespmem:s25+$0x30];
	v32 =	vunpack.i.u.bf16.f32 v20;
	v20 =	vunpack.i.l.bf16.f32 v20;
	v37 =	vadd.bf16 v34, v63  }
0x6f: {  	v42 =	vld [tilespmem:s25+$0x50];
	v40 =	vunpack.i.u.bf16.f32 v38;
	v59 =	vunpack.i.u.bf16.f32 v30;
	v33 =	vadd.bf16 v56, v44  }
0x70: {  	v45 =	vld [tilespmem:s31+$0x50];
	v30 =	vunpack.i.l.bf16.f32 v30;
	v7 =	vadd.f32 v7, v11;
	v8 =	vadd.f32 v8, v62  }
0x71: {  	v46 =	vld [tilespmem:s25+$0x60];
	v14 =	vadd.f32 v14, v58;
	v16 =	vadd.f32 v16, v61;
	v58 =	vmul.bf16 v50, v49  }
0x72: {  	v11 =	vld [tilespmem:s31+$0xFFFFFFB0];
	v20 =	vadd.f32 v20, v32;
	v61 =	vmul.bf16 v54, v53;
	v9 =	vmul.bf16 v9, v55  }
0x73: {  	v32 =	vld [tilespmem:s31+$0x10];
	v30 =	vadd.f32 v30, v59;
	v12 =	vmul.bf16 v13, v12;
	v19 =	vmul.bf16 v21, v19  }
0x74: {  	v13 =	vld [tilespmem:s31+$0x60];
	v53 =	vmul.bf16 v29, v26;
	v28 =	vunpack.i.u.bf16.f32 v37;
	v7 =	vadd.f32 v8, v7  }
0x75: {  	v8 =	vmul.bf16 v24, v23;
	v24 =	vld [tilespmem:s31+$0xFFFFFFD0];
	v14 =	vadd.f32 v16, v14;
	v16 =	vunpack.i.l.bf16.f32 v37  }
0x76: {  	v23 =	vld [tilespmem:s31+$0xFFFFFFE0];
	v37 =	vadd.bf16 v61, v60;
	v10 =	vmul.bf16 v15, v10;
	v9 =	vadd.bf16 v12, v9  }
0x77: {  	v15 =	vld [tilespmem:s25+$0x70];
	v44 =	vmul.bf16 v45, v42;
	v16 =	vadd.f32 v16, v28;
	v8 =	vadd.bf16 v57, v8  }
0x78: {  	v12 =	vld [tilespmem:s31+$0x70];
	v57 =	vmul.bf16 v48, v47;
	v47 =	vunpack.i.u.bf16.f32 v37;
	v37 =	vunpack.i.l.bf16.f32 v37  }
0x79: {  	v28 =	vld [tilespmem:s31+$0x20];
	v48 =	vunpack.i.u.bf16.f32 v9;
	v9 =	vunpack.i.l.bf16.f32 v9;
	v37 =	vadd.f32 v37, v47  }
0x7a: {  	v51 =	vld [tilespmem:s31+$0x90];
	v11 =	vmul.bf16 v11, v18;
	v9 =	vadd.f32 v9, v48;
	v55 =	vmul.bf16 v32, v27  }
0x7b: {  	v34 =	vld [tilespmem:s25+$0x40];
	v13 =	vmul.bf16 v13, v46;
	v62 =	vunpack.i.u.bf16.f32 v8;
	v8 =	vunpack.i.l.bf16.f32 v8  }
0x7c: {  	v56 =	vld [tilespmem:s31+$0xA0];
	v8 =	vadd.f32 v8, v62;
	v62 =	vunpack.i.u.bf16.f32 v33;
	v33 =	vunpack.i.l.bf16.f32 v33  }
0x7d: {  	v49 =	vld [tilespmem:s31+$0x80];
	v10 =	vadd.bf16 v11, v10;
	v17 =	vmul.bf16 v24, v17;
	v52 =	vmul.bf16 v23, v25  }
0x7e: {  	v54 =	vld [tilespmem:s25+$0xA0];
	v12 =	vmul.bf16 v12, v15;
	v33 =	vadd.f32 v33, v62;
	v59 =	vmul.bf16 v28, v35  }
0x7f: {  	v61 =	vld [tilespmem:s31+$0xB0];
	v8 =	vadd.f32 v20, v8;
	v20 =	vunpack.i.l.bf16.f32 v38;
	v17 =	vadd.bf16 v17, v19  }
0x80: {  	v11 =	vld [tilespmem:s25+$0x80];
	v50 =	vunpack.i.u.bf16.f32 v10;
	v19 =	vadd.bf16 v53, v52;
	v12 =	vadd.bf16 v12, v13  }
0x81: {  	v24 =	vld [tilespmem:s25+$0x90];
	v10 =	vunpack.i.l.bf16.f32 v10;
	v20 =	vadd.f32 v20, v40;
	v18 =	vadd.f32 v33, v30  }
0x82: {  	v45 =	vld [tilespmem:s31+$0xD0];
	v10 =	vadd.f32 v10, v50;
	v62 =	vunpack.i.u.bf16.f32 v19;
	v19 =	vunpack.i.l.bf16.f32 v19  }
0x83: {  	v38 =	vld [tilespmem:s31+$0x30];
	v50 =	vunpack.i.u.bf16.f32 v12;
	v12 =	vunpack.i.l.bf16.f32 v12;
	v16 =	vadd.f32 v20, v16  }
0x84: {  	v47 =	vld [tilespmem:s31+$0xE0];
	v20 =	vadd.bf16 v58, v57;
	v9 =	vadd.f32 v10, v9;
	v10 =	vmul.bf16 v22, v31  }
0x85: {  	v13 =	vld [tilespmem:s25+$0xF0];
	v57 =	vunpack.i.u.bf16.f32 v17;
	v17 =	vunpack.i.l.bf16.f32 v17;
	v19 =	vadd.f32 v19, v62  }
0x86: {  	v58 =	vld [tilespmem:s25+$0xB0];
	v11 =	vmul.bf16 v49, v11;
	v24 =	vmul.bf16 v51, v24;
	v17 =	vadd.f32 v17, v57  }
0x87: {  	v49 =	vld [tilespmem:s31+$0xF0];
	v63 =	vunpack.i.u.bf16.f32 v20;
	v20 =	vunpack.i.l.bf16.f32 v20;
	v10 =	vadd.bf16 v55, v10  }
0x88: {  	v60 =	vmul.bf16 v38, v36;
	v38 =	vmul.bf16 v41, v34;
	v41 =	vld [tilespmem:s25+$0xD0];
	v20 =	vadd.f32 v20, v63  }
0x89: {  	(xrf2) =	vadd.scan.msk.f32 $0xffff, v7;
	v12 =	vadd.f32 v12, v50;
	v7 =	vadd.bf16 v24, v11;
	v11 =	vmul.bf16 v56, v54;
	v63 =	vld [tilespmem:s25+$0xC0]  }
0x8a: {  	v17 =	vadd.f32 v19, v17;
	v36 =	vunpack.i.u.bf16.f32 v10;
	v20 =	vadd.f32 v37, v20;
	v37 =	vld [tilespmem:s31+$0xC0]  }
0x8b: {  	v15 =	vld [tilespmem:s25+$0xE0];
	v10 =	vunpack.i.l.bf16.f32 v10;
	v22 =	vadd.bf16 v60, v59;
	v46 =	vadd.bf16 v44, v38  }
0x8c: {  	v5 =	vld [tilespmem:s25+$0xFFFFFE30];
	v56 =	vunpack.i.u.bf16.f32 v7;
	v7 =	vunpack.i.l.bf16.f32 v7;
	v10 =	vadd.f32 v10, v36  }
0x8d: {  	v6 =	vld [tilespmem:s31+$0xFFFFFE30];
	v23 =	vmul.bf16 v61, v58;
	v13 =	vmul.bf16 v49, v13;
	v7 =	vadd.f32 v7, v56  }
0x8e: {  	v52 =	vld [tilespmem:s31+$0x100];
	v43 =	vunpack.i.u.bf16.f32 v22;
	v22 =	vunpack.i.l.bf16.f32 v22;
	v48 =	vunpack.i.u.bf16.f32 v46  }
0x8f: {  	(xrf2) =	vadd.scan.msk.f32 $0xffff, v14;
	v53 =	vld [tilespmem:s25+$0x110];
	v19 =	vunpack.i.l.bf16.f32 v46;
	v54 =	vmul.bf16 v45, v41;
	v14 =	vmul.bf16 v37, v63  }
0x90: {  	(xrf2) =	vadd.scan.msk.f32 $0xffff, v8;
	v51 =	vld [tilespmem:s25+$0x100];
	v22 =	vadd.f32 v22, v43;
	v8 =	vadd.bf16 v23, v11;
	v11 =	vmul.bf16 v47, v15  }
0x91: {  	v57 =	vld [tilespmem:s31+$0x120];
	(xrf2) =	vadd.scan.msk.f32 $0xffff, v16;
	v19 =	vadd.f32 v19, v48;
	v14 =	vadd.bf16 v54, v14  }
0x92: {  	v55 =	vld [tilespmem:s31+$0x110];
	(xrf2) =	vadd.scan.msk.f32 $0xffff, v18;
	v58 =	vunpack.i.u.bf16.f32 v8;
	v8 =	vunpack.i.l.bf16.f32 v8;
	v11 =	vadd.bf16 v13, v11  }
0x93: {  	v60 =	vld [tilespmem:s31+$0x130];
	(xrf2) =	vadd.scan.msk.f32 $0xffff, v20;
	v10 =	vadd.f32 v22, v10;
	v8 =	vadd.f32 v8, v58;
	v59 =	vunpack.i.u.bf16.f32 v14  }
0x94: {  	v61 =	vld [tilespmem:s25+$0x140];
	(xrf2) =	vadd.scan.msk.f32 $0xffff, v9;
	v9 =	vunpack.i.l.bf16.f32 v14;
	v14 =	vunpack.i.u.bf16.f32 v11;
	v11 =	vunpack.i.l.bf16.f32 v11  }
0x95: {  	v15 =	vld [tilespmem:s25+$0x120];
	v9 =	vadd.f32 v9, v59;
	v11 =	vadd.f32 v11, v14  }
0x96: {  	v12 =	vadd.f32 v12, v19;
	v13 =	vld [tilespmem:s25+$0x130];
	(xrf2) =	vadd.scan.msk.f32 $0xffff, v17  }
0x97: {  	(xrf2) =	vadd.scan.msk.f32 $0xffff, v10;
	v10 =	vld [tilespmem:s31+$0x150];
	v7 =	vadd.f32 v8, v7;
	v9 =	vadd.f32 v11, v9  }
0x98: {  	v8 =	vld [tilespmem:s25+$0x150];
	(xrf2) =	vadd.scan.msk.f32 $0xffff, v12  }
0x99: {  	v12 =	vmul.bf16 v55, v53;
	v14 =	vld [tilespmem:s31+$0x140];
	v11, _, _ =	vpop (xrf2);
	(xrf2) =	vadd.scan.msk.f32 $0xffff, v7;
	v7 =	vmul.bf16 v52, v51  }
0x9a: {  	v2 =	vld [tilespmem:s31+$0xFFFFFE10];
	v3 =	vmul.bf16 v4, v3;
	v4 =	vmul.bf16 v6, v5;
	[tilespmem:s1+$0x0] =	vst.msk vm0, v11;
	v5, _, _ =	vpop (xrf2);
	(xrf2) =	vadd.scan.msk.f32 $0xffff, v9  }
0x9b: {  	v6 =	vld [tilespmem:s31+$0x160];
	v11 =	vmul.bf16 v60, v13;
	v9, _, _ =	vpop (xrf2);
	[tilespmem:s1+$0xFFFFFFF2] =	vst.msk vm0, v5;
	v5 =	vadd.bf16 v12, v7;
	v7 =	vmul.bf16 v57, v15  }
0x9c: {  	v62 =	vld [tilespmem:s25+$0x160];
	v13, _, _ =	vpop (xrf2)  }
0x9d: {  	v3 =	vadd.bf16 v4, v3;
	v8 =	vmul.bf16 v10, v8;
	v12 =	vld [tilespmem:s25+$0x170];
	[tilespmem:s1+$0xFFFFFFF3] =	vst.msk vm0, v9;
	v15, _, _ =	vpop (xrf2);
	v7 =	vadd.bf16 v11, v7  }
0x9e: {  	v14 =	vmul.bf16 v14, v61;
	v9 =	vld [tilespmem:s31+$0x170];
	[tilespmem:s1+$0xFFFFFFF4] =	vst.msk vm0, v13;
	v4 =	vunpack.i.u.bf16.f32 v5;
	v5 =	vunpack.i.l.bf16.f32 v5;
	v13, _, _ =	vpop (xrf2)  }
0x9f: {  	v10 =	vld [tilespmem:s31+$0x180];
	[tilespmem:s1+$0xFFFFFFF5] =	vst.msk vm0, v15;
	v4 =	vadd.f32 v5, v4;
	v15, _, _ =	vpop (xrf2);
	v5 =	vunpack.i.u.bf16.f32 v7;
	v7 =	vunpack.i.l.bf16.f32 v7  }
0xa0: {  	v11 =	vld [tilespmem:s25+$0x180];
	v17, _, _ =	vpop (xrf2);
	v5 =	vadd.f32 v7, v5  }
0xa1: {  	[tilespmem:s1+$0xFFFFFFF6] =	vst.msk vm0, v13;
	v13 =	vld [tilespmem:s25+$0x190];
	v7 =	vadd.bf16 v8, v14;
	v8, _, _ =	vpop (xrf2)  }
0xa2: {  	v6 =	vmul.bf16 v6, v62;
	v14 =	vld [tilespmem:s31+$0x190];
	[tilespmem:s1+$0xFFFFFFF9] =	vst.msk vm0, v8;
	v8 =	vadd.f32 v5, v4  }
0xa3: {  	v63 =	vunpack.i.l.bf16.f32 v3;
	[tilespmem:s1+$0xFFFFFFF7] =	vst.msk vm0, v15;
	v15 =	vunpack.i.u.bf16.f32 v3;
	v3 =	vld [tilespmem:s25+$0x1A0];
	v9 =	vmul.bf16 v9, v12;
	v12, _, _ =	vpop (xrf2)  }
0xa4: {  	v1 =	vmul.bf16 v2, v1;
	[tilespmem:s1+$0xFFFFFFF8] =	vst.msk vm0, v17;
	v2 =	vadd.f32 v63, v15;
	v4 =	vld [tilespmem:s31+$0x1A0];
	v5, _, _ =	vpop (xrf2);
	(xrf2) =	vadd.scan.msk.f32 $0xffff, v8  }
0xa5: {  	[tilespmem:s1+$0xFFFFFFFA] =	vst.msk vm0, v12;
	v12 =	vunpack.i.u.bf16.f32 v7;
	v7 =	vunpack.i.l.bf16.f32 v7;
	v15 =	vadd.bf16 v9, v6;
	v6 =	vld [tilespmem:s25+$0x1B0]  }
0xa6: {  	v9 =	vmul.bf16 v10, v11;
	[tilespmem:s1+$0xFFFFFFFB] =	vst.msk vm0, v5;
	v5 =	vadd.f32 v7, v12;
	v7 =	vld [tilespmem:s31+$0x1B0];
	v10, _, _ =	vpop (xrf2)  }
0xa7: {  	s15 =	simm.s32 $0xF060;
	s0 =	simm.s32 $0x0;
	v8 =	vld [tilespmem:s25+$0xFFFFFE00];
	s25 =	smov.u32 s1;
	v11 =	vunpack.i.u.bf16.f32 v15;
	v12 =	vunpack.i.l.bf16.f32 v15;
	[tilespmem:s1+$0xFFFFFFFC] =	vst.msk vm0, v10;
	v10 =	vmul.bf16 v14, v13  }
.LBB2_3:
0xa8: {  	v13 =	vld [tilespmem:s15+$0x1C0];
	v11 =	vadd.f32 v12, v11;
	s31 =	sadd.s32 $0x400, s31  }
0xa9: {  	v12 =	vld [tilespmem:s31+$0x1C0];
	v9 =	vadd.bf16 v10, v9;
	v3 =	vmul.bf16 v4, v3  }
0xaa: {  	v4 =	vld [tilespmem:s15+$0x1D0];
	v5 =	vadd.f32 v11, v5  }
0xab: {  	v10 =	vld [tilespmem:s31+$0x1D0];
	v11 =	vunpack.i.u.bf16.f32 v9;
	v9 =	vunpack.i.l.bf16.f32 v9;
	v6 =	vmul.bf16 v7, v6  }
0xac: {  	v7 =	vld [tilespmem:s15+$0x1E0];
	v14 =	vmul.bf16 v0, v8;
	v8 =	vadd.f32 v9, v11;
	(xrf2) =	vadd.scan.msk.f32 $0xffff, v5  }
0xad: {  	v5 =	vld [tilespmem:s31+$0x1E0];
	v3 =	vadd.bf16 v6, v3  }
0xae: {  	v6 =	vld [tilespmem:s15+$0x1F0];
	v1 =	vadd.bf16 v1, v14;
	v0, _, _ =	vpop (xrf2)  }
0xaf: {  	s0 =	sadd.s32 $0x10, s0;
	v9 =	vld [tilespmem:s31+$0x1F0];
	[tilespmem:s25+$0xFFFFFFFD] =	vst.msk vm0, v0;
	v11 =	vunpack.i.u.bf16.f32 v3;
	v3 =	vunpack.i.l.bf16.f32 v3  }
0xb0: {  	p0 =	slt.u32 s0, $0xB0;
	v0 =	vld [tilespmem:s31+$0xFFFFFE00];
	v14 =	vunpack.i.u.bf16.f32 v1;
	v1 =	vunpack.i.l.bf16.f32 v1;
	v3 =	vadd.f32 v3, v11  }
0xb1: {  	v11 =	vld [tilespmem:s15+$0xFFFFFE10];
	v1 =	vadd.f32 v1, v14  }
0xb2: {  	v14 =	vld [tilespmem:s31+$0xFFFFFE10];
	v3 =	vadd.f32 v3, v8  }
0xb3: {  	v12 =	vmul.bf16 v12, v13;
	v4 =	vmul.bf16 v10, v4;
	v8 =	vld [tilespmem:s15+$0xFFFFFE20];
	v1 =	vadd.f32 v2, v1  }
0xb4: {  	v5 =	vmul.bf16 v5, v7;
	v2 =	vld [tilespmem:s31+$0xFFFFFE20];
	v10 =	vmul.bf16 v9, v6  }
0xb5: {  	v4 =	vadd.bf16 v4, v12;
	v7 =	vld [tilespmem:s15+$0xFFFFFE30];
	(xrf2) =	vadd.scan.msk.f32 $0xffff, v1  }
0xb6: {  	v9 =	vld [tilespmem:s31+$0xFFFFFE30];
	v5 =	vadd.bf16 v10, v5;
	v6, _, _ =	vpop (xrf2)  }
0xb7: {  	v1 =	vmul.bf16 v14, v11;
	v10 =	vld [tilespmem:s15+$0xFFFFFE40];
	v11 =	vunpack.i.u.bf16.f32 v4;
	[tilespmem:s25+$0xFFFFFFFE] =	vst.msk vm0, v6  }
0xb8: {  	v4 =	vunpack.i.l.bf16.f32 v4;
	v6 =	vld [tilespmem:s31+$0xFFFFFE40];
	v12 =	vunpack.i.u.bf16.f32 v5;
	v5 =	vunpack.i.l.bf16.f32 v5;
	(xrf2) =	vadd.scan.msk.f32 $0xffff, v3  }
0xb9: {  	v4 =	vadd.f32 v4, v11;
	v2 =	vmul.bf16 v2, v8;
	v3 =	vld [tilespmem:s15+$0xFFFFFE50];
	v5 =	vadd.f32 v5, v12  }
0xba: {  	v8 =	vld [tilespmem:s31+$0xFFFFFE50]  }
0xbb: {  	v7 =	vmul.bf16 v9, v7;
	v9 =	vld [tilespmem:s15+$0xFFFFFE60];
	v4 =	vadd.f32 v5, v4  }
0xbc: {  	v5 =	vld [tilespmem:s31+$0xFFFFFE60]  }
0xbd: {  	v2 =	vadd.bf16 v7, v2;
	v6 =	vmul.bf16 v6, v10;
	v7 =	vld [tilespmem:s15+$0xFFFFFE70];
	(xrf2) =	vadd.scan.msk.f32 $0xffff, v4  }
0xbe: {  	v4 =	vld [tilespmem:s31+$0xFFFFFE70]  }
0xbf: {  	v10 =	vunpack.i.u.bf16.f32 v2;
	v2 =	vunpack.i.l.bf16.f32 v2;
	v3 =	vmul.bf16 v8, v3;
	v8 =	vld [tilespmem:s15+$0xFFFFFE80];
	v11, _, _ =	vpop (xrf2)  }
0xc0: {  	v2 =	vadd.f32 v2, v10;
	v10 =	vld [tilespmem:s31+$0xFFFFFE80];
	[tilespmem:s25+$0xFFFFFFF1] =	vst.msk vm0, v11  }
0xc1: {  	v3 =	vadd.bf16 v3, v6;
	v5 =	vmul.bf16 v5, v9;
	v6 =	vld [tilespmem:s15+$0xFFFFFE90]  }
0xc2: {  	v9 =	vld [tilespmem:s31+$0xFFFFFE90];
	v11, _, _ =	vpop (xrf2)  }
0xc3: {  	v12 =	vunpack.i.u.bf16.f32 v3;
	v3 =	vunpack.i.l.bf16.f32 v3;
	v4 =	vmul.bf16 v4, v7;
	v7 =	vld [tilespmem:s15+$0xFFFFFEA0];
	[tilespmem:s25+$0xFFFFFFFF] =	vst.msk vm0, v11  }
0xc4: {  	v3 =	vadd.f32 v3, v12;
	v11 =	vld [tilespmem:s31+$0xFFFFFEA0]  }
0xc5: {  	v4 =	vadd.bf16 v4, v5;
	v5 =	vmul.bf16 v10, v8;
	v8 =	vld [tilespmem:s15+$0xFFFFFEB0]  }
0xc6: {  	v10 =	vld [tilespmem:s31+$0xFFFFFEB0]  }
0xc7: {  	s25 =	sadd.s32 $0x10, s25;
	v12 =	vunpack.i.u.bf16.f32 v4;
	v4 =	vunpack.i.l.bf16.f32 v4;
	v6 =	vmul.bf16 v9, v6;
	v9 =	vld [tilespmem:s15+$0xFFFFFEC0];
	v13, _, _ =	vpop (xrf2)  }
0xc8: {  	s16 =	simm.s32 $0x0;
	v4 =	vadd.f32 v4, v12;
	v12 =	vld [tilespmem:s31+$0xFFFFFEC0];
	[tilespmem:s25+$0x0] =	vst.msk vm0, v13  }
0xc9: {  	v5 =	vadd.bf16 v6, v5;
	v6 =	vmul.bf16 v11, v7;
	v7 =	vld [tilespmem:s15+$0xFFFFFED0]  }
0xca: {  	v3 =	vadd.f32 v4, v3;
	v4 =	vld [tilespmem:s31+$0xFFFFFED0]  }
0xcb: {  	v11 =	vunpack.i.u.bf16.f32 v5;
	v5 =	vunpack.i.l.bf16.f32 v5;
	v8 =	vmul.bf16 v10, v8;
	v10 =	vld [tilespmem:s15+$0xFFFFFEE0]  }
0xcc: {  	v5 =	vadd.f32 v5, v11;
	v11 =	vld [tilespmem:s31+$0xFFFFFEE0];
	(xrf2) =	vadd.scan.msk.f32 $0xffff, v3  }
0xcd: {  	v3 =	vadd.bf16 v8, v6;
	v6 =	vmul.bf16 v12, v9;
	v8 =	vld [tilespmem:s15+$0xFFFFFEF0]  }
0xce: {  	v9 =	vld [tilespmem:s31+$0xFFFFFEF0]  }
0xcf: {  	v12 =	vunpack.i.u.bf16.f32 v3;
	v3 =	vunpack.i.l.bf16.f32 v3;
	v4 =	vmul.bf16 v4, v7;
	v7 =	vld [tilespmem:s15+$0xFFFFFF00]  }
0xd0: {  	v3 =	vadd.f32 v3, v12;
	v12 =	vld [tilespmem:s31+$0xFFFFFF00]  }
0xd1: {  	v4 =	vadd.bf16 v4, v6;
	v6 =	vmul.bf16 v11, v10;
	v10 =	vld [tilespmem:s15+$0xFFFFFF10]  }
0xd2: {  	v3 =	vadd.f32 v3, v5;
	v5 =	vld [tilespmem:s31+$0xFFFFFF10]  }
0xd3: {  	v11 =	vunpack.i.u.bf16.f32 v4;
	v4 =	vunpack.i.l.bf16.f32 v4;
	v8 =	vmul.bf16 v9, v8;
	v9 =	vld [tilespmem:s15+$0xFFFFFF20]  }
0xd4: {  	v4 =	vadd.f32 v4, v11;
	v11 =	vld [tilespmem:s31+$0xFFFFFF20];
	(xrf2) =	vadd.scan.msk.f32 $0xffff, v3  }
0xd5: {  	v3 =	vadd.bf16 v8, v6;
	v6 =	vmul.bf16 v12, v7;
	v7 =	vld [tilespmem:s15+$0xFFFFFF30]  }
0xd6: {  	v8 =	vld [tilespmem:s31+$0xFFFFFF30];
	v12, _, _ =	vpop (xrf2)  }
0xd7: {  	[tilespmem:s25+$0xFFFFFFF2] =	vst.msk vm0, v12;
	v12 =	vunpack.i.u.bf16.f32 v3;
	v3 =	vunpack.i.l.bf16.f32 v3;
	v5 =	vmul.bf16 v5, v10;
	v10 =	vld [tilespmem:s15+$0xFFFFFF40]  }
0xd8: {  	v3 =	vadd.f32 v3, v12;
	v12 =	vld [tilespmem:s31+$0xFFFFFF40]  }
0xd9: {  	v5 =	vadd.bf16 v5, v6;
	v6 =	vmul.bf16 v11, v9;
	v9 =	vld [tilespmem:s15+$0xFFFFFF50]  }
0xda: {  	v3 =	vadd.f32 v3, v4;
	v4 =	vld [tilespmem:s31+$0xFFFFFF50]  }
0xdb: {  	v11 =	vunpack.i.u.bf16.f32 v5;
	v5 =	vunpack.i.l.bf16.f32 v5;
	v7 =	vmul.bf16 v8, v7;
	v8 =	vld [tilespmem:s15+$0xFFFFFF60]  }
0xdc: {  	v5 =	vadd.f32 v5, v11;
	v11 =	vld [tilespmem:s31+$0xFFFFFF60];
	(xrf2) =	vadd.scan.msk.f32 $0xffff, v3  }
0xdd: {  	v3 =	vadd.bf16 v7, v6;
	v6 =	vmul.bf16 v12, v10;
	v7 =	vld [tilespmem:s15+$0xFFFFFF70]  }
0xde: {  	v10 =	vld [tilespmem:s31+$0xFFFFFF70];
	v12, _, _ =	vpop (xrf2)  }
0xdf: {  	[tilespmem:s25+$0xFFFFFFF3] =	vst.msk vm0, v12;
	v12 =	vunpack.i.u.bf16.f32 v3;
	v3 =	vunpack.i.l.bf16.f32 v3;
	v4 =	vmul.bf16 v4, v9;
	v9 =	vld [tilespmem:s15+$0xFFFFFF80]  }
0xe0: {  	v3 =	vadd.f32 v3, v12;
	v12 =	vld [tilespmem:s31+$0xFFFFFF80]  }
0xe1: {  	v4 =	vadd.bf16 v4, v6;
	v6 =	vmul.bf16 v11, v8;
	v8 =	vld [tilespmem:s15+$0xFFFFFF90]  }
0xe2: {  	v3 =	vadd.f32 v3, v5;
	v5 =	vld [tilespmem:s31+$0xFFFFFF90]  }
0xe3: {  	v11 =	vunpack.i.u.bf16.f32 v4;
	v4 =	vunpack.i.l.bf16.f32 v4;
	v7 =	vmul.bf16 v10, v7;
	v10 =	vld [tilespmem:s15+$0xFFFFFFA0]  }
0xe4: {  	v4 =	vadd.f32 v4, v11;
	v11 =	vld [tilespmem:s31+$0xFFFFFFA0];
	(xrf2) =	vadd.scan.msk.f32 $0xffff, v3  }
0xe5: {  	v3 =	vadd.bf16 v7, v6;
	v6 =	vmul.bf16 v12, v9;
	v7 =	vld [tilespmem:s15+$0xFFFFFFB0]  }
0xe6: {  	v9 =	vld [tilespmem:s31+$0xFFFFFFB0];
	v12, _, _ =	vpop (xrf2)  }
0xe7: {  	[tilespmem:s25+$0xFFFFFFF4] =	vst.msk vm0, v12;
	v12 =	vunpack.i.u.bf16.f32 v3;
	v3 =	vunpack.i.l.bf16.f32 v3;
	v5 =	vmul.bf16 v5, v8;
	v8 =	vld [tilespmem:s15+$0xFFFFFFC0]  }
0xe8: {  	v3 =	vadd.f32 v3, v12;
	v12 =	vld [tilespmem:s31+$0xFFFFFFC0]  }
0xe9: {  	v5 =	vadd.bf16 v5, v6;
	v6 =	vmul.bf16 v11, v10;
	v10 =	vld [tilespmem:s15+$0xFFFFFFD0]  }
0xea: {  	v3 =	vadd.f32 v3, v4;
	v4 =	vld [tilespmem:s31+$0xFFFFFFD0]  }
0xeb: {  	v11 =	vunpack.i.u.bf16.f32 v5;
	v5 =	vunpack.i.l.bf16.f32 v5;
	v7 =	vmul.bf16 v9, v7;
	v9 =	vld [tilespmem:s15+$0xFFFFFFE0]  }
0xec: {  	v5 =	vadd.f32 v5, v11;
	v11 =	vld [tilespmem:s31+$0xFFFFFFE0];
	(xrf2) =	vadd.scan.msk.f32 $0xffff, v3  }
0xed: {  	v3 =	vadd.bf16 v7, v6;
	v6 =	vmul.bf16 v12, v8;
	v7 =	vld [tilespmem:s15+$0xFFFFFFF0]  }
0xee: {  	v8 =	vld [tilespmem:s31+$0xFFFFFFF0];
	v12, _, _ =	vpop (xrf2)  }
0xef: {  	[tilespmem:s25+$0xFFFFFFF5] =	vst.msk vm0, v12;
	v12 =	vunpack.i.u.bf16.f32 v3;
	v3 =	vunpack.i.l.bf16.f32 v3;
	v4 =	vmul.bf16 v4, v10;
	v10 =	vld [tilespmem:s15+$0x0]  }
0xf0: {  	v3 =	vadd.f32 v3, v12;
	v12 =	vld [tilespmem:s31+$0x0]  }
0xf1: {  	v4 =	vadd.bf16 v4, v6;
	v6 =	vmul.bf16 v11, v9;
	v9 =	vld [tilespmem:s15+$0x10]  }
0xf2: {  	v3 =	vadd.f32 v3, v5;
	v5 =	vld [tilespmem:s31+$0x10]  }
0xf3: {  	v11 =	vunpack.i.u.bf16.f32 v4;
	v4 =	vunpack.i.l.bf16.f32 v4;
	v7 =	vmul.bf16 v8, v7;
	v8 =	vld [tilespmem:s15+$0x20]  }
0xf4: {  	v4 =	vadd.f32 v4, v11;
	v11 =	vld [tilespmem:s31+$0x20];
	(xrf2) =	vadd.scan.msk.f32 $0xffff, v3  }
0xf5: {  	v3 =	vadd.bf16 v7, v6;
	v6 =	vmul.bf16 v12, v10;
	v7 =	vld [tilespmem:s15+$0x30]  }
0xf6: {  	v10 =	vld [tilespmem:s31+$0x30];
	v12, _, _ =	vpop (xrf2)  }
0xf7: {  	[tilespmem:s25+$0xFFFFFFF6] =	vst.msk vm0, v12;
	v12 =	vunpack.i.u.bf16.f32 v3;
	v3 =	vunpack.i.l.bf16.f32 v3;
	v5 =	vmul.bf16 v5, v9;
	v9 =	vld [tilespmem:s15+$0x40]  }
0xf8: {  	v3 =	vadd.f32 v3, v12;
	v12 =	vld [tilespmem:s31+$0x40]  }
0xf9: {  	v5 =	vadd.bf16 v5, v6;
	v6 =	vmul.bf16 v11, v8;
	v8 =	vld [tilespmem:s15+$0x50]  }
0xfa: {  	v3 =	vadd.f32 v3, v4;
	v4 =	vld [tilespmem:s31+$0x50]  }
0xfb: {  	v11 =	vunpack.i.u.bf16.f32 v5;
	v5 =	vunpack.i.l.bf16.f32 v5;
	v7 =	vmul.bf16 v10, v7;
	v10 =	vld [tilespmem:s15+$0x60]  }
0xfc: {  	v5 =	vadd.f32 v5, v11;
	v11 =	vld [tilespmem:s31+$0x60];
	(xrf2) =	vadd.scan.msk.f32 $0xffff, v3  }
0xfd: {  	v3 =	vadd.bf16 v7, v6;
	v6 =	vmul.bf16 v12, v9;
	v7 =	vld [tilespmem:s15+$0x70]  }
0xfe: {  	v9 =	vld [tilespmem:s31+$0x70];
	v12, _, _ =	vpop (xrf2)  }
0xff: {  	[tilespmem:s25+$0xFFFFFFF7] =	vst.msk vm0, v12;
	v12 =	vunpack.i.u.bf16.f32 v3;
	v3 =	vunpack.i.l.bf16.f32 v3;
	v4 =	vmul.bf16 v4, v8;
	v8 =	vld [tilespmem:s15+$0x80]  }
0x100: {  	v3 =	vadd.f32 v3, v12;
	v12 =	vld [tilespmem:s31+$0x80]  }
0x101: {  	v4 =	vadd.bf16 v4, v6;
	v6 =	vmul.bf16 v11, v10;
	v10 =	vld [tilespmem:s15+$0x90]  }
0x102: {  	v3 =	vadd.f32 v3, v5;
	v5 =	vld [tilespmem:s31+$0x90]  }
0x103: {  	v11 =	vunpack.i.u.bf16.f32 v4;
	v4 =	vunpack.i.l.bf16.f32 v4;
	v7 =	vmul.bf16 v9, v7;
	v9 =	vld [tilespmem:s15+$0xA0]  }
0x104: {  	v4 =	vadd.f32 v4, v11;
	v11 =	vld [tilespmem:s31+$0xA0];
	(xrf2) =	vadd.scan.msk.f32 $0xffff, v3  }
0x105: {  	v3 =	vadd.bf16 v7, v6;
	v6 =	vmul.bf16 v12, v8;
	v7 =	vld [tilespmem:s15+$0xB0]  }
0x106: {  	v8 =	vld [tilespmem:s31+$0xB0];
	v12, _, _ =	vpop (xrf2)  }
0x107: {  	[tilespmem:s25+$0xFFFFFFF8] =	vst.msk vm0, v12;
	v12 =	vunpack.i.u.bf16.f32 v3;
	v3 =	vunpack.i.l.bf16.f32 v3;
	v5 =	vmul.bf16 v5, v10;
	v10 =	vld [tilespmem:s15+$0xC0]  }
0x108: {  	v3 =	vadd.f32 v3, v12;
	v12 =	vld [tilespmem:s31+$0xC0]  }
0x109: {  	v5 =	vadd.bf16 v5, v6;
	v6 =	vmul.bf16 v11, v9;
	v9 =	vld [tilespmem:s15+$0xD0]  }
0x10a: {  	v3 =	vadd.f32 v3, v4;
	v4 =	vld [tilespmem:s31+$0xD0]  }
0x10b: {  	v11 =	vunpack.i.u.bf16.f32 v5;
	v5 =	vunpack.i.l.bf16.f32 v5;
	v7 =	vmul.bf16 v8, v7;
	v8 =	vld [tilespmem:s15+$0xE0]  }
0x10c: {  	v5 =	vadd.f32 v5, v11;
	v11 =	vld [tilespmem:s31+$0xE0];
	(xrf2) =	vadd.scan.msk.f32 $0xffff, v3  }
0x10d: {  	v3 =	vadd.bf16 v7, v6;
	v6 =	vmul.bf16 v12, v10;
	v7 =	vld [tilespmem:s15+$0xF0]  }
0x10e: {  	v10 =	vld [tilespmem:s31+$0xF0];
	v12, _, _ =	vpop (xrf2)  }
0x10f: {  	[tilespmem:s25+$0xFFFFFFF9] =	vst.msk vm0, v12;
	v12 =	vunpack.i.u.bf16.f32 v3;
	v3 =	vunpack.i.l.bf16.f32 v3;
	v4 =	vmul.bf16 v4, v9;
	v9 =	vld [tilespmem:s15+$0x100]  }
0x110: {  	v3 =	vadd.f32 v3, v12;
	v12 =	vld [tilespmem:s31+$0x100]  }
0x111: {  	v4 =	vadd.bf16 v4, v6;
	v6 =	vmul.bf16 v11, v8;
	v8 =	vld [tilespmem:s15+$0x110]  }
0x112: {  	v3 =	vadd.f32 v3, v5;
	v5 =	vld [tilespmem:s31+$0x110]  }
0x113: {  	v11 =	vunpack.i.u.bf16.f32 v4;
	v4 =	vunpack.i.l.bf16.f32 v4;
	v7 =	vmul.bf16 v10, v7;
	v10 =	vld [tilespmem:s15+$0x120]  }
0x114: {  	v4 =	vadd.f32 v4, v11;
	v11 =	vld [tilespmem:s31+$0x120];
	(xrf2) =	vadd.scan.msk.f32 $0xffff, v3  }
0x115: {  	v3 =	vadd.bf16 v7, v6;
	v6 =	vmul.bf16 v12, v9;
	v7 =	vld [tilespmem:s15+$0x130]  }
0x116: {  	v9 =	vld [tilespmem:s31+$0x130];
	v12, _, _ =	vpop (xrf2)  }
0x117: {  	[tilespmem:s25+$0xFFFFFFFA] =	vst.msk vm0, v12;
	v12 =	vunpack.i.u.bf16.f32 v3;
	v3 =	vunpack.i.l.bf16.f32 v3;
	v5 =	vmul.bf16 v5, v8;
	v8 =	vld [tilespmem:s15+$0x140]  }
0x118: {  	v3 =	vadd.f32 v3, v12;
	v12 =	vld [tilespmem:s31+$0x140]  }
0x119: {  	v5 =	vadd.bf16 v5, v6;
	v6 =	vmul.bf16 v11, v10;
	v10 =	vld [tilespmem:s15+$0x150]  }
0x11a: {  	v3 =	vadd.f32 v3, v4;
	v4 =	vld [tilespmem:s31+$0x150]  }
0x11b: {  	v11 =	vunpack.i.u.bf16.f32 v5;
	v5 =	vunpack.i.l.bf16.f32 v5;
	v7 =	vmul.bf16 v9, v7;
	v9 =	vld [tilespmem:s15+$0x160]  }
0x11c: {  	v5 =	vadd.f32 v5, v11;
	v11 =	vld [tilespmem:s31+$0x160];
	(xrf2) =	vadd.scan.msk.f32 $0xffff, v3  }
0x11d: {  	v3 =	vadd.bf16 v7, v6;
	v6 =	vmul.bf16 v12, v8;
	v7 =	vld [tilespmem:s15+$0x170]  }
0x11e: {  	v8 =	vld [tilespmem:s31+$0x170];
	v12, _, _ =	vpop (xrf2)  }
0x11f: {  	[tilespmem:s25+$0xFFFFFFFB] =	vst.msk vm0, v12;
	v12 =	vunpack.i.u.bf16.f32 v3;
	v3 =	vunpack.i.l.bf16.f32 v3;
	v4 =	vmul.bf16 v4, v10;
	v10 =	vld [tilespmem:s15+$0x180]  }
0x120: {  	v3 =	vadd.f32 v3, v12;
	v12 =	vld [tilespmem:s31+$0x180]  }
0x121: {  	v4 =	vadd.bf16 v4, v6;
	v6 =	vmul.bf16 v11, v9;
	v13 =	vld [tilespmem:s15+$0x190]  }
0x122: {  	v9 =	vadd.f32 v3, v5;
	v14 =	vld [tilespmem:s31+$0x190]  }
.Ltmp0:
0x123: {  	v5 =	vunpack.i.u.bf16.f32 v4;
	v4 =	vunpack.i.l.bf16.f32 v4;
	v7 =	vmul.bf16 v8, v7;
	v3 =	vld [tilespmem:s15+$0x1A0];
	(pc) =	sbr.rel @p0 .LBB2_3-.Ltmp0, $4  }
0x124: {  	v5 =	vadd.f32 v4, v5;
	v4 =	vld [tilespmem:s31+$0x1A0];
	(xrf2) =	vadd.scan.msk.f32 $0xffff, v9  }
0x125: {  	v15 =	vadd.bf16 v7, v6;
	v9 =	vmul.bf16 v12, v10;
	v6 =	vld [tilespmem:s15+$0x1B0]  }
0x126: {  	v7 =	vld [tilespmem:s31+$0x1B0];
	v10, _, _ =	vpop (xrf2)  }
0x127: {  	v8 =	vld [tilespmem:s15+$0xFFFFFE00];
	[tilespmem:s25+$0xFFFFFFFC] =	vst.msk vm0, v10;
	v11 =	vunpack.i.u.bf16.f32 v15;
	v12 =	vunpack.i.l.bf16.f32 v15;
	v10 =	vmul.bf16 v14, v13;
	s15 =	sadd.s32 $0x400, s15  }
0x128: {  	_ =	sdelay $0x3  }
0x129: {  	v11 =	vadd.f32 v12, v11;
	v0 =	vmul.bf16 v0, v8  }
0x12a: {  	v52 =	vadd.bf16 v10, v9;
	v3 =	vmul.bf16 v4, v3;
	v53 =	vmul.bf16 v7, v6  }
0x12b: {  	v0 =	vadd.bf16 v1, v0  }
0x12c: {  	v54 =	vadd.f32 v11, v5;
	v55 =	vunpack.i.u.bf16.f32 v52;
	v3 =	vadd.bf16 v53, v3  }
0x12d: {  	v56 =	vunpack.i.l.bf16.f32 v52;
	v57 =	vunpack.i.u.bf16.f32 v0;
	v0 =	vunpack.i.l.bf16.f32 v0  }
0x12e: {  	v58 =	vunpack.i.u.bf16.f32 v3;
	v3 =	vunpack.i.l.bf16.f32 v3;
	v0 =	vadd.f32 v0, v57  }
0x12f: {  	v4 =	vadd.f32 v56, v55;
	v3 =	vadd.f32 v3, v58  }
0x130: {  	v0 =	vadd.f32 v2, v0  }
0x131: {  	(xrf2) =	vadd.scan.msk.f32 $0xffff, v54;
	v59 =	vadd.f32 v3, v4  }
0x132: {  	(xrf2) =	vadd.scan.msk.f32 $0xffff, v0  }
0x133: {  	(xrf2) =	vadd.scan.msk.f32 $0xffff, v59;
	_ =	sdelay $0x6  }
0x134: {  	v60, _, _ =	vpop (xrf2)  }
0x135: {  	[tilespmem:s25+$0xFFFFFFFD] =	vst.msk vm0, v60;
	v61, _, _ =	vpop (xrf2)  }
0x136: {  	[tilespmem:s25+$0xFFFFFFFE] =	vst.msk vm0, v61;
	v62, _, _ =	vpop (xrf2)  }
0x137: {  	[tilespmem:s25+$0xFFFFFFF1] =	vst.msk vm0, v62;
	v63, _, _ =	vpop (xrf2)  }
0x138: {  	s0 =	smov.u32 s26;
	[tilespmem:s25+$0xFFFFFFFF] =	vst.msk vm0, v63  }
.LBB2_5:
0x139: {  	s15 =	sshra.s32 s16, $0x2  }
0x13a: {  	v0 =	vld [tilespmem:s15+$0x11A60]  }
0x13b: {  	v1 =	vld [tilespmem:s15+$0x17E60]  }
0x13c: {  	v2 =	vld [tilespmem:s15+$0x11A70]  }
0x13d: {  	v3 =	vld [tilespmem:s15+$0x17E70]  }
0x13e: {  	v4 =	vld [tilespmem:s15+$0x11A80]  }
0x13f: {  	v5 =	vld [tilespmem:s15+$0x17E80]  }
0x140: {  	v6 =	vld [tilespmem:s15+$0x11A90]  }
0x141: {  	v7 =	vld [tilespmem:s15+$0x17E90];
	_ =	sdelay $0x3  }
0x142: {  	v0 =	vmul.bf16 v1, v0;
	v59 =	vmul.bf16 v3, v2  }
0x143: {  	v60 =	vmul.bf16 v5, v4;
	v61 =	vmul.bf16 v7, v6  }
0x144: {  	v0 =	vadd.bf16 v59, v0  }
0x145: {  	v62 =	vadd.bf16 v61, v60  }
0x146: {  	v63 =	vunpack.i.u.bf16.f32 v0  }
0x147: {  	v0 =	vunpack.i.l.bf16.f32 v0;
	v3 =	vunpack.i.u.bf16.f32 v62;
	v1 =	vunpack.i.l.bf16.f32 v62  }
0x148: {  	v0 =	vadd.f32 v0, v63;
	v1 =	vadd.f32 v1, v3;
	_ =	sdelay $0x1  }
0x149: {  	v0 =	vadd.f32 v1, v0;
	_ =	sdelay $0x1  }
0x14a: {  	(xrf2) =	vadd.scan.msk.f32 $0xffff, v0;
	_ =	sdelay $0x5  }
0x14b: {  	p0 =	sne.s32 s16, $0x700  }
.Ltmp1:
0x14c: {  	_ = 	snop;
	(pc) =	sbr.rel @p0 .LBB2_5-.Ltmp1, $3  }
0x14d: {  	_ =	sdelay $0x1  }
0x14e: {  	v0, _, _ =	vpop (xrf2)  }
0x14f: {  	s16 =	sadd.s32 $0x100, s16;
	[tilespmem:s0+$0x0] =	vst.msk vm0, v0;
	s0 =	sadd.s32 $0x1, s0  }
0x150: {  	p0 =	seq.s32 s30, $0x18  }
0x151: {  	s0 =	smul.u32 @!p0 $0x190, s30;
	_ =	sdelay $0x1  }
0x152: {  	s16 =	simm.s32 @!p0 $0xC8;
	s25 =	simm.s32 @!p0 $0xEA60;
	s15 =	sadd.s32 @!p0 $0x9DD0, s0  }
0x153: {  	[tilespmem:s25], [sflag:$0x1] =	stream.indirect.gather @!p0 [spmem:s2], $0x40, s15, s16, $0xb8;
	[tilespmem:$0x1D980] =	vst v63  }
0x154: {  	s0 =	sadd.s32 @!p0 $0xC4E0, s0;
	s15 =	simm.s32 @!p0 $0x14E60  }
0x155: {  	[tilespmem:s15], [sflag:$0x2] =	stream.indirect.gather @!p0 [spmem:s2], $0x40, s0, s16, $0xb8;
	[tilespmem:$0x1D980] =	vst v63  }
0x156: {  	_ =	swait.ge [sflag:s21], $0x3200  }
0x157: {  	[sflag:s21] =	ssyncset.done $0x0  }
0x158: {  	[sflag:s21] =	ssyncadd.s32 $0xFFFFCE00  }
0x159: {  	_ =	swait.ge [sflag:s22], $0x3200  }
0x15a: {  	[sflag:s22] =	ssyncset.done $0x0  }
0x15b: {  	s25 =	simm.s32 $0x11E60;
	[sflag:s22] =	ssyncadd.s32 $0xFFFFCE00  }
0x15c: {  	s31 =	simm.s32 $0x18260;
	v7 =	vld [tilespmem:s25+$0x1C0]  }
0x15d: {  	v8 =	vld [tilespmem:s31+$0x1C0]  }
0x15e: {  	v9 =	vld [tilespmem:s25+$0x1D0]  }
0x15f: {  	v10 =	vld [tilespmem:s31+$0x1D0]  }
0x160: {  	v11 =	vld [tilespmem:s25+$0x1E0]  }
0x161: {  	v12 =	vld [tilespmem:s31+$0x1E0]  }
0x162: {  	v13 =	vld [tilespmem:s25+$0x1F0]  }
0x163: {  	v14 =	vld [tilespmem:s31+$0x1F0]  }
0x164: {  	v0 =	vld [tilespmem:s31+$0xFFFFFE00]  }
0x165: {  	v1 =	vld [tilespmem:s25+$0xFFFFFE10]  }
0x166: {  	v3 =	vld [tilespmem:s25+$0xFFFFFE20]  }
0x167: {  	v4 =	vld [tilespmem:s31+$0xFFFFFE20]  }
0x168: {  	v15 =	vld [tilespmem:s25+$0xFFFFFE40]  }
0x169: {  	v16 =	vld [tilespmem:s31+$0xFFFFFE40]  }
0x16a: {  	v17 =	vld [tilespmem:s25+$0xFFFFFE50]  }
0x16b: {  	v18 =	vld [tilespmem:s31+$0xFFFFFE50]  }
0x16c: {  	v19 =	vld [tilespmem:s25+$0xFFFFFE60]  }
0x16d: {  	v20 =	vld [tilespmem:s31+$0xFFFFFE60]  }
0x16e: {  	v21 =	vld [tilespmem:s25+$0xFFFFFE70]  }
0x16f: {  	v22 =	vld [tilespmem:s31+$0xFFFFFE70]  }
0x170: {  	v23 =	vld [tilespmem:s25+$0xFFFFFE80]  }
0x171: {  	v24 =	vld [tilespmem:s31+$0xFFFFFE80]  }
0x172: {  	v25 =	vld [tilespmem:s25+$0xFFFFFE90]  }
0x173: {  	v26 =	vld [tilespmem:s31+$0xFFFFFE90]  }
0x174: {  	v27 =	vld [tilespmem:s25+$0xFFFFFEA0]  }
0x175: {  	v28 =	vld [tilespmem:s31+$0xFFFFFEA0]  }
0x176: {  	v29 =	vld [tilespmem:s25+$0xFFFFFEB0]  }
0x177: {  	v30 =	vld [tilespmem:s31+$0xFFFFFEB0]  }
0x178: {  	v31 =	vld [tilespmem:s25+$0xFFFFFEC0]  }
0x179: {  	v32 =	vld [tilespmem:s31+$0xFFFFFEC0]  }
0x17a: {  	v33 =	vld [tilespmem:s25+$0xFFFFFED0]  }
0x17b: {  	v34 =	vld [tilespmem:s31+$0xFFFFFED0]  }
0x17c: {  	v35 =	vld [tilespmem:s25+$0xFFFFFEE0]  }
0x17d: {  	v36 =	vld [tilespmem:s31+$0xFFFFFEE0]  }
0x17e: {  	v37 =	vld [tilespmem:s25+$0xFFFFFEF0]  }
0x17f: {  	v38 =	vld [tilespmem:s31+$0xFFFFFEF0]  }
0x180: {  	v39 =	vld [tilespmem:s25+$0xFFFFFF00]  }
0x181: {  	v40 =	vld [tilespmem:s31+$0xFFFFFF00]  }
0x182: {  	v41 =	vld [tilespmem:s25+$0xFFFFFF10]  }
0x183: {  	v42 =	vld [tilespmem:s31+$0xFFFFFF10]  }
0x184: {  	v43 =	vld [tilespmem:s25+$0xFFFFFF20]  }
0x185: {  	v44 =	vld [tilespmem:s31+$0xFFFFFF20]  }
0x186: {  	v45 =	vld [tilespmem:s25+$0xFFFFFF30]  }
0x187: {  	v46 =	vld [tilespmem:s31+$0xFFFFFF30]  }
0x188: {  	v47 =	vld [tilespmem:s25+$0xFFFFFF40]  }
0x189: {  	v48 =	vld [tilespmem:s31+$0xFFFFFF40]  }
0x18a: {  	v49 =	vld [tilespmem:s25+$0xFFFFFF50]  }
0x18b: {  	v50 =	vld [tilespmem:s31+$0xFFFFFF50]  }
0x18c: {  	v51 =	vld [tilespmem:s25+$0xFFFFFF60]  }
0x18d: {  	v52 =	vld [tilespmem:s31+$0xFFFFFF60]  }
0x18e: {  	v53 =	vld [tilespmem:s25+$0xFFFFFF70]  }
0x18f: {  	v54 =	vld [tilespmem:s31+$0xFFFFFF70]  }
0x190: {  	v55 =	vld [tilespmem:s25+$0xFFFFFF80]  }
0x191: {  	v7 =	vmul.bf16 v8, v7;
	v8 =	vmul.bf16 v10, v9;
	v9 =	vld [tilespmem:s31+$0xFFFFFF80]  }
0x192: {  	v10 =	vmul.bf16 v12, v11;
	v12 =	vld [tilespmem:s25+$0xFFFFFF90]  }
0x193: {  	v11 =	vmul.bf16 v14, v13;
	v13 =	vld [tilespmem:s31+$0xFFFFFF90]  }
0x194: {  	v14 =	vmul.bf16 v16, v15;
	v15 =	vld [tilespmem:s31+$0xFFFFFFA0]  }
0x195: {  	v17 =	vmul.bf16 v18, v17;
	v18 =	vld [tilespmem:s25+$0xFFFFFFB0]  }
0x196: {  	v63 =	vmul.bf16 v20, v19;
	v19 =	vld [tilespmem:s25+$0xFFFFFFC0]  }
0x197: {  	v56 =	vmul.bf16 v22, v21;
	v21 =	vld [tilespmem:s31+$0xFFFFFFC0]  }
0x198: {  	v57 =	vmul.bf16 v26, v25;
	v59 =	vmul.bf16 v28, v27;
	v25 =	vld [tilespmem:s25+$0xFFFFFFE0]  }
0x199: {  	v60 =	vmul.bf16 v30, v29;
	v26 =	vld [tilespmem:s25+$0xFFFFFFF0];
	v34 =	vmul.bf16 v34, v33  }
0x19a: {  	v29 =	vld [tilespmem:s31+$0xFFFFFFF0];
	v35 =	vmul.bf16 v36, v35;
	v36 =	vmul.bf16 v38, v37  }
0x19b: {  	v22 =	vld [tilespmem:s31+$0x0];
	v39 =	vmul.bf16 v40, v39;
	v42 =	vmul.bf16 v42, v41;
	v7 =	vadd.bf16 v8, v7  }
0x19c: {  	v27 =	vld [tilespmem:s25+$0x10];
	v44 =	vmul.bf16 v44, v43;
	v8 =	vadd.bf16 v11, v10;
	v14 =	vadd.bf16 v17, v14  }
0x19d: {  	v41 =	vld [tilespmem:s31+$0x40];
	v16 =	vadd.bf16 v56, v63;
	v20 =	vadd.bf16 v60, v59;
	v63 =	vmul.bf16 v32, v31  }
0x19e: {  	v10 =	vld [tilespmem:s25+$0xFFFFFFA0];
	v38 =	vadd.bf16 v36, v35;
	v30 =	vadd.bf16 v42, v39;
	v56 =	vmul.bf16 v46, v45  }
0x19f: {  	v17 =	vld [tilespmem:s25+$0xFFFFFFD0];
	v60 =	vmul.bf16 v52, v51;
	v11 =	vunpack.i.u.bf16.f32 v7;
	v7 =	vunpack.i.l.bf16.f32 v7  }
0x1a0: {  	v31 =	vld [tilespmem:s25+$0x0];
	v62 =	vunpack.i.u.bf16.f32 v8;
	v8 =	vunpack.i.l.bf16.f32 v8;
	v58 =	vunpack.i.u.bf16.f32 v14  }
0x1a1: {  	v35 =	vld [tilespmem:s25+$0x20];
	v14 =	vunpack.i.l.bf16.f32 v14;
	v61 =	vunpack.i.u.bf16.f32 v16;
	v16 =	vunpack.i.l.bf16.f32 v16  }
0x1a2: {  	v36 =	vld [tilespmem:s25+$0x30];
	v32 =	vunpack.i.u.bf16.f32 v20;
	v20 =	vunpack.i.l.bf16.f32 v20;
	v37 =	vadd.bf16 v34, v63  }
0x1a3: {  	v42 =	vld [tilespmem:s25+$0x50];
	v40 =	vunpack.i.u.bf16.f32 v38;
	v59 =	vunpack.i.u.bf16.f32 v30;
	v33 =	vadd.bf16 v56, v44  }
0x1a4: {  	v45 =	vld [tilespmem:s31+$0x50];
	v30 =	vunpack.i.l.bf16.f32 v30;
	v7 =	vadd.f32 v7, v11;
	v8 =	vadd.f32 v8, v62  }
0x1a5: {  	v46 =	vld [tilespmem:s25+$0x60];
	v14 =	vadd.f32 v14, v58;
	v16 =	vadd.f32 v16, v61;
	v58 =	vmul.bf16 v50, v49  }
0x1a6: {  	v11 =	vld [tilespmem:s31+$0xFFFFFFB0];
	v20 =	vadd.f32 v20, v32;
	v61 =	vmul.bf16 v54, v53;
	v9 =	vmul.bf16 v9, v55  }
0x1a7: {  	v32 =	vld [tilespmem:s31+$0x10];
	v30 =	vadd.f32 v30, v59;
	v12 =	vmul.bf16 v13, v12;
	v19 =	vmul.bf16 v21, v19  }
0x1a8: {  	v13 =	vld [tilespmem:s31+$0x60];
	v53 =	vmul.bf16 v29, v26;
	v28 =	vunpack.i.u.bf16.f32 v37;
	v7 =	vadd.f32 v8, v7  }
0x1a9: {  	v8 =	vmul.bf16 v24, v23;
	v24 =	vld [tilespmem:s31+$0xFFFFFFD0];
	v14 =	vadd.f32 v16, v14;
	v16 =	vunpack.i.l.bf16.f32 v37  }
0x1aa: {  	v23 =	vld [tilespmem:s31+$0xFFFFFFE0];
	v37 =	vadd.bf16 v61, v60;
	v10 =	vmul.bf16 v15, v10;
	v9 =	vadd.bf16 v12, v9  }
0x1ab: {  	v15 =	vld [tilespmem:s25+$0x70];
	v44 =	vmul.bf16 v45, v42;
	v16 =	vadd.f32 v16, v28;
	v8 =	vadd.bf16 v57, v8  }
0x1ac: {  	v12 =	vld [tilespmem:s31+$0x70];
	v57 =	vmul.bf16 v48, v47;
	v47 =	vunpack.i.u.bf16.f32 v37;
	v37 =	vunpack.i.l.bf16.f32 v37  }
0x1ad: {  	v28 =	vld [tilespmem:s31+$0x20];
	v48 =	vunpack.i.u.bf16.f32 v9;
	v9 =	vunpack.i.l.bf16.f32 v9;
	v37 =	vadd.f32 v37, v47  }
0x1ae: {  	v51 =	vld [tilespmem:s31+$0x90];
	v11 =	vmul.bf16 v11, v18;
	v9 =	vadd.f32 v9, v48;
	v55 =	vmul.bf16 v32, v27  }
0x1af: {  	v34 =	vld [tilespmem:s25+$0x40];
	v13 =	vmul.bf16 v13, v46;
	v62 =	vunpack.i.u.bf16.f32 v8;
	v8 =	vunpack.i.l.bf16.f32 v8  }
0x1b0: {  	v56 =	vld [tilespmem:s31+$0xA0];
	v8 =	vadd.f32 v8, v62;
	v62 =	vunpack.i.u.bf16.f32 v33;
	v33 =	vunpack.i.l.bf16.f32 v33  }
0x1b1: {  	v49 =	vld [tilespmem:s31+$0x80];
	v10 =	vadd.bf16 v11, v10;
	v17 =	vmul.bf16 v24, v17;
	v52 =	vmul.bf16 v23, v25  }
0x1b2: {  	v54 =	vld [tilespmem:s25+$0xA0];
	v12 =	vmul.bf16 v12, v15;
	v33 =	vadd.f32 v33, v62;
	v59 =	vmul.bf16 v28, v35  }
0x1b3: {  	v61 =	vld [tilespmem:s31+$0xB0];
	v8 =	vadd.f32 v20, v8;
	v20 =	vunpack.i.l.bf16.f32 v38;
	v17 =	vadd.bf16 v17, v19  }
0x1b4: {  	v11 =	vld [tilespmem:s25+$0x80];
	v50 =	vunpack.i.u.bf16.f32 v10;
	v19 =	vadd.bf16 v53, v52;
	v12 =	vadd.bf16 v12, v13  }
0x1b5: {  	v24 =	vld [tilespmem:s25+$0x90];
	v10 =	vunpack.i.l.bf16.f32 v10;
	v20 =	vadd.f32 v20, v40;
	v18 =	vadd.f32 v33, v30  }
0x1b6: {  	v45 =	vld [tilespmem:s31+$0xD0];
	v10 =	vadd.f32 v10, v50;
	v62 =	vunpack.i.u.bf16.f32 v19;
	v19 =	vunpack.i.l.bf16.f32 v19  }
0x1b7: {  	v38 =	vld [tilespmem:s31+$0x30];
	v50 =	vunpack.i.u.bf16.f32 v12;
	v12 =	vunpack.i.l.bf16.f32 v12;
	v16 =	vadd.f32 v20, v16  }
0x1b8: {  	v47 =	vld [tilespmem:s31+$0xE0];
	v20 =	vadd.bf16 v58, v57;
	v9 =	vadd.f32 v10, v9;
	v10 =	vmul.bf16 v22, v31  }
0x1b9: {  	v13 =	vld [tilespmem:s25+$0xF0];
	v57 =	vunpack.i.u.bf16.f32 v17;
	v17 =	vunpack.i.l.bf16.f32 v17;
	v19 =	vadd.f32 v19, v62  }
0x1ba: {  	v58 =	vld [tilespmem:s25+$0xB0];
	v11 =	vmul.bf16 v49, v11;
	v24 =	vmul.bf16 v51, v24;
	v17 =	vadd.f32 v17, v57  }
0x1bb: {  	v49 =	vld [tilespmem:s31+$0xF0];
	v63 =	vunpack.i.u.bf16.f32 v20;
	v20 =	vunpack.i.l.bf16.f32 v20;
	v10 =	vadd.bf16 v55, v10  }
0x1bc: {  	v60 =	vmul.bf16 v38, v36;
	v38 =	vmul.bf16 v41, v34;
	v41 =	vld [tilespmem:s25+$0xD0];
	v20 =	vadd.f32 v20, v63  }
0x1bd: {  	(xrf2) =	vadd.scan.msk.f32 $0xffff, v7;
	v12 =	vadd.f32 v12, v50;
	v7 =	vadd.bf16 v24, v11;
	v11 =	vmul.bf16 v56, v54;
	v63 =	vld [tilespmem:s25+$0xC0]  }
0x1be: {  	v17 =	vadd.f32 v19, v17;
	v36 =	vunpack.i.u.bf16.f32 v10;
	v20 =	vadd.f32 v37, v20;
	v37 =	vld [tilespmem:s31+$0xC0]  }
0x1bf: {  	v15 =	vld [tilespmem:s25+$0xE0];
	v10 =	vunpack.i.l.bf16.f32 v10;
	v22 =	vadd.bf16 v60, v59;
	v46 =	vadd.bf16 v44, v38  }
0x1c0: {  	v5 =	vld [tilespmem:s25+$0xFFFFFE30];
	v56 =	vunpack.i.u.bf16.f32 v7;
	v7 =	vunpack.i.l.bf16.f32 v7;
	v10 =	vadd.f32 v10, v36  }
0x1c1: {  	v6 =	vld [tilespmem:s31+$0xFFFFFE30];
	v23 =	vmul.bf16 v61, v58;
	v13 =	vmul.bf16 v49, v13;
	v7 =	vadd.f32 v7, v56  }
0x1c2: {  	v52 =	vld [tilespmem:s31+$0x100];
	v43 =	vunpack.i.u.bf16.f32 v22;
	v22 =	vunpack.i.l.bf16.f32 v22;
	v48 =	vunpack.i.u.bf16.f32 v46  }
0x1c3: {  	(xrf2) =	vadd.scan.msk.f32 $0xffff, v14;
	v53 =	vld [tilespmem:s25+$0x110];
	v19 =	vunpack.i.l.bf16.f32 v46;
	v54 =	vmul.bf16 v45, v41;
	v14 =	vmul.bf16 v37, v63  }
0x1c4: {  	(xrf2) =	vadd.scan.msk.f32 $0xffff, v8;
	v51 =	vld [tilespmem:s25+$0x100];
	v22 =	vadd.f32 v22, v43;
	v8 =	vadd.bf16 v23, v11;
	v11 =	vmul.bf16 v47, v15  }
0x1c5: {  	v57 =	vld [tilespmem:s31+$0x120];
	(xrf2) =	vadd.scan.msk.f32 $0xffff, v16;
	v19 =	vadd.f32 v19, v48;
	v14 =	vadd.bf16 v54, v14  }
0x1c6: {  	v55 =	vld [tilespmem:s31+$0x110];
	(xrf2) =	vadd.scan.msk.f32 $0xffff, v18;
	v58 =	vunpack.i.u.bf16.f32 v8;
	v8 =	vunpack.i.l.bf16.f32 v8;
	v11 =	vadd.bf16 v13, v11  }
0x1c7: {  	v60 =	vld [tilespmem:s31+$0x130];
	(xrf2) =	vadd.scan.msk.f32 $0xffff, v20;
	v10 =	vadd.f32 v22, v10;
	v8 =	vadd.f32 v8, v58;
	v59 =	vunpack.i.u.bf16.f32 v14  }
0x1c8: {  	v61 =	vld [tilespmem:s25+$0x140];
	(xrf2) =	vadd.scan.msk.f32 $0xffff, v9;
	v9 =	vunpack.i.l.bf16.f32 v14;
	v14 =	vunpack.i.u.bf16.f32 v11;
	v11 =	vunpack.i.l.bf16.f32 v11  }
0x1c9: {  	v15 =	vld [tilespmem:s25+$0x120];
	v9 =	vadd.f32 v9, v59;
	v11 =	vadd.f32 v11, v14  }
0x1ca: {  	v12 =	vadd.f32 v12, v19;
	v13 =	vld [tilespmem:s25+$0x130];
	(xrf2) =	vadd.scan.msk.f32 $0xffff, v17  }
0x1cb: {  	(xrf2) =	vadd.scan.msk.f32 $0xffff, v10;
	v10 =	vld [tilespmem:s31+$0x150];
	v7 =	vadd.f32 v8, v7;
	v9 =	vadd.f32 v11, v9  }
0x1cc: {  	v8 =	vld [tilespmem:s25+$0x150];
	(xrf2) =	vadd.scan.msk.f32 $0xffff, v12  }
0x1cd: {  	v12 =	vmul.bf16 v55, v53;
	v14 =	vld [tilespmem:s31+$0x140];
	v11, _, _ =	vpop (xrf2);
	(xrf2) =	vadd.scan.msk.f32 $0xffff, v7;
	v7 =	vmul.bf16 v52, v51  }
0x1ce: {  	v2 =	vld [tilespmem:s31+$0xFFFFFE10];
	v3 =	vmul.bf16 v4, v3;
	v4 =	vmul.bf16 v6, v5;
	[tilespmem:s28+$0x0] =	vst.msk vm0, v11;
	v5, _, _ =	vpop (xrf2);
	(xrf2) =	vadd.scan.msk.f32 $0xffff, v9  }
0x1cf: {  	v6 =	vld [tilespmem:s31+$0x160];
	v11 =	vmul.bf16 v60, v13;
	v9, _, _ =	vpop (xrf2);
	[tilespmem:s28+$0xFFFFFFF2] =	vst.msk vm0, v5;
	v5 =	vadd.bf16 v12, v7;
	v7 =	vmul.bf16 v57, v15  }
0x1d0: {  	v62 =	vld [tilespmem:s25+$0x160];
	v13, _, _ =	vpop (xrf2)  }
0x1d1: {  	v3 =	vadd.bf16 v4, v3;
	v8 =	vmul.bf16 v10, v8;
	v12 =	vld [tilespmem:s25+$0x170];
	[tilespmem:s28+$0xFFFFFFF3] =	vst.msk vm0, v9;
	v15, _, _ =	vpop (xrf2);
	v7 =	vadd.bf16 v11, v7  }
0x1d2: {  	v14 =	vmul.bf16 v14, v61;
	v9 =	vld [tilespmem:s31+$0x170];
	[tilespmem:s28+$0xFFFFFFF4] =	vst.msk vm0, v13;
	v4 =	vunpack.i.u.bf16.f32 v5;
	v5 =	vunpack.i.l.bf16.f32 v5;
	v13, _, _ =	vpop (xrf2)  }
0x1d3: {  	v10 =	vld [tilespmem:s31+$0x180];
	[tilespmem:s28+$0xFFFFFFF5] =	vst.msk vm0, v15;
	v4 =	vadd.f32 v5, v4;
	v15, _, _ =	vpop (xrf2);
	v5 =	vunpack.i.u.bf16.f32 v7;
	v7 =	vunpack.i.l.bf16.f32 v7  }
0x1d4: {  	v11 =	vld [tilespmem:s25+$0x180];
	v17, _, _ =	vpop (xrf2);
	v5 =	vadd.f32 v7, v5  }
0x1d5: {  	[tilespmem:s28+$0xFFFFFFF6] =	vst.msk vm0, v13;
	v13 =	vld [tilespmem:s25+$0x190];
	v7 =	vadd.bf16 v8, v14;
	v8, _, _ =	vpop (xrf2)  }
0x1d6: {  	v6 =	vmul.bf16 v6, v62;
	v14 =	vld [tilespmem:s31+$0x190];
	[tilespmem:s28+$0xFFFFFFF9] =	vst.msk vm0, v8;
	v8 =	vadd.f32 v5, v4  }
0x1d7: {  	v63 =	vunpack.i.l.bf16.f32 v3;
	[tilespmem:s28+$0xFFFFFFF7] =	vst.msk vm0, v15;
	v15 =	vunpack.i.u.bf16.f32 v3;
	v3 =	vld [tilespmem:s25+$0x1A0];
	v9 =	vmul.bf16 v9, v12;
	v12, _, _ =	vpop (xrf2)  }
0x1d8: {  	v1 =	vmul.bf16 v2, v1;
	[tilespmem:s28+$0xFFFFFFF8] =	vst.msk vm0, v17;
	v2 =	vadd.f32 v63, v15;
	v4 =	vld [tilespmem:s31+$0x1A0];
	v5, _, _ =	vpop (xrf2);
	(xrf2) =	vadd.scan.msk.f32 $0xffff, v8  }
0x1d9: {  	[tilespmem:s28+$0xFFFFFFFA] =	vst.msk vm0, v12;
	v12 =	vunpack.i.u.bf16.f32 v7;
	v7 =	vunpack.i.l.bf16.f32 v7;
	v15 =	vadd.bf16 v9, v6;
	v6 =	vld [tilespmem:s25+$0x1B0]  }
0x1da: {  	v9 =	vmul.bf16 v10, v11;
	[tilespmem:s28+$0xFFFFFFFB] =	vst.msk vm0, v5;
	v5 =	vadd.f32 v7, v12;
	v7 =	vld [tilespmem:s31+$0x1B0];
	v10, _, _ =	vpop (xrf2)  }
0x1db: {  	s0 =	simm.s32 $0x0;
	s15 =	simm.s32 $0x12260;
	v8 =	vld [tilespmem:s25+$0xFFFFFE00];
	s25 =	smov.u32 s28;
	v11 =	vunpack.i.u.bf16.f32 v15;
	v12 =	vunpack.i.l.bf16.f32 v15;
	[tilespmem:s28+$0xFFFFFFFC] =	vst.msk vm0, v10;
	v10 =	vmul.bf16 v14, v13  }
.LBB2_7:
0x1dc: {  	v13 =	vld [tilespmem:s15+$0x1C0];
	v11 =	vadd.f32 v12, v11;
	s31 =	sadd.s32 $0x400, s31  }
0x1dd: {  	v12 =	vld [tilespmem:s31+$0x1C0];
	v9 =	vadd.bf16 v10, v9;
	v3 =	vmul.bf16 v4, v3  }
0x1de: {  	v4 =	vld [tilespmem:s15+$0x1D0];
	v5 =	vadd.f32 v11, v5  }
0x1df: {  	v10 =	vld [tilespmem:s31+$0x1D0];
	v11 =	vunpack.i.u.bf16.f32 v9;
	v9 =	vunpack.i.l.bf16.f32 v9;
	v6 =	vmul.bf16 v7, v6  }
0x1e0: {  	v7 =	vld [tilespmem:s15+$0x1E0];
	v14 =	vmul.bf16 v0, v8;
	v8 =	vadd.f32 v9, v11;
	(xrf2) =	vadd.scan.msk.f32 $0xffff, v5  }
0x1e1: {  	v5 =	vld [tilespmem:s31+$0x1E0];
	v3 =	vadd.bf16 v6, v3  }
0x1e2: {  	v6 =	vld [tilespmem:s15+$0x1F0];
	v1 =	vadd.bf16 v1, v14;
	v0, _, _ =	vpop (xrf2)  }
0x1e3: {  	s0 =	sadd.s32 $0x10, s0;
	v9 =	vld [tilespmem:s31+$0x1F0];
	[tilespmem:s25+$0xFFFFFFFD] =	vst.msk vm0, v0;
	v11 =	vunpack.i.u.bf16.f32 v3;
	v3 =	vunpack.i.l.bf16.f32 v3  }
0x1e4: {  	p0 =	slt.u32 s0, $0xB0;
	v0 =	vld [tilespmem:s31+$0xFFFFFE00];
	v14 =	vunpack.i.u.bf16.f32 v1;
	v1 =	vunpack.i.l.bf16.f32 v1;
	v3 =	vadd.f32 v3, v11  }
0x1e5: {  	v11 =	vld [tilespmem:s15+$0xFFFFFE10];
	v1 =	vadd.f32 v1, v14  }
0x1e6: {  	v14 =	vld [tilespmem:s31+$0xFFFFFE10];
	v3 =	vadd.f32 v3, v8  }
0x1e7: {  	v12 =	vmul.bf16 v12, v13;
	v4 =	vmul.bf16 v10, v4;
	v8 =	vld [tilespmem:s15+$0xFFFFFE20];
	v1 =	vadd.f32 v2, v1  }
0x1e8: {  	v5 =	vmul.bf16 v5, v7;
	v2 =	vld [tilespmem:s31+$0xFFFFFE20];
	v10 =	vmul.bf16 v9, v6  }
0x1e9: {  	v4 =	vadd.bf16 v4, v12;
	v7 =	vld [tilespmem:s15+$0xFFFFFE30];
	(xrf2) =	vadd.scan.msk.f32 $0xffff, v1  }
0x1ea: {  	v9 =	vld [tilespmem:s31+$0xFFFFFE30];
	v5 =	vadd.bf16 v10, v5;
	v6, _, _ =	vpop (xrf2)  }
0x1eb: {  	v1 =	vmul.bf16 v14, v11;
	v10 =	vld [tilespmem:s15+$0xFFFFFE40];
	v11 =	vunpack.i.u.bf16.f32 v4;
	[tilespmem:s25+$0xFFFFFFFE] =	vst.msk vm0, v6  }
0x1ec: {  	v4 =	vunpack.i.l.bf16.f32 v4;
	v6 =	vld [tilespmem:s31+$0xFFFFFE40];
	v12 =	vunpack.i.u.bf16.f32 v5;
	v5 =	vunpack.i.l.bf16.f32 v5;
	(xrf2) =	vadd.scan.msk.f32 $0xffff, v3  }
0x1ed: {  	v4 =	vadd.f32 v4, v11;
	v2 =	vmul.bf16 v2, v8;
	v3 =	vld [tilespmem:s15+$0xFFFFFE50];
	v5 =	vadd.f32 v5, v12  }
0x1ee: {  	v8 =	vld [tilespmem:s31+$0xFFFFFE50]  }
0x1ef: {  	v7 =	vmul.bf16 v9, v7;
	v9 =	vld [tilespmem:s15+$0xFFFFFE60];
	v4 =	vadd.f32 v5, v4  }
0x1f0: {  	v5 =	vld [tilespmem:s31+$0xFFFFFE60]  }
0x1f1: {  	v2 =	vadd.bf16 v7, v2;
	v6 =	vmul.bf16 v6, v10;
	v7 =	vld [tilespmem:s15+$0xFFFFFE70];
	(xrf2) =	vadd.scan.msk.f32 $0xffff, v4  }
0x1f2: {  	v4 =	vld [tilespmem:s31+$0xFFFFFE70]  }
0x1f3: {  	v10 =	vunpack.i.u.bf16.f32 v2;
	v2 =	vunpack.i.l.bf16.f32 v2;
	v3 =	vmul.bf16 v8, v3;
	v8 =	vld [tilespmem:s15+$0xFFFFFE80];
	v11, _, _ =	vpop (xrf2)  }
0x1f4: {  	v2 =	vadd.f32 v2, v10;
	v10 =	vld [tilespmem:s31+$0xFFFFFE80];
	[tilespmem:s25+$0xFFFFFFF1] =	vst.msk vm0, v11  }
0x1f5: {  	v3 =	vadd.bf16 v3, v6;
	v5 =	vmul.bf16 v5, v9;
	v6 =	vld [tilespmem:s15+$0xFFFFFE90]  }
0x1f6: {  	v9 =	vld [tilespmem:s31+$0xFFFFFE90];
	v11, _, _ =	vpop (xrf2)  }
0x1f7: {  	v12 =	vunpack.i.u.bf16.f32 v3;
	v3 =	vunpack.i.l.bf16.f32 v3;
	v4 =	vmul.bf16 v4, v7;
	v7 =	vld [tilespmem:s15+$0xFFFFFEA0];
	[tilespmem:s25+$0xFFFFFFFF] =	vst.msk vm0, v11  }
0x1f8: {  	v3 =	vadd.f32 v3, v12;
	v11 =	vld [tilespmem:s31+$0xFFFFFEA0]  }
0x1f9: {  	v4 =	vadd.bf16 v4, v5;
	v5 =	vmul.bf16 v10, v8;
	v8 =	vld [tilespmem:s15+$0xFFFFFEB0]  }
0x1fa: {  	v10 =	vld [tilespmem:s31+$0xFFFFFEB0]  }
0x1fb: {  	s25 =	sadd.s32 $0x10, s25;
	v12 =	vunpack.i.u.bf16.f32 v4;
	v4 =	vunpack.i.l.bf16.f32 v4;
	v6 =	vmul.bf16 v9, v6;
	v9 =	vld [tilespmem:s15+$0xFFFFFEC0];
	v13, _, _ =	vpop (xrf2)  }
0x1fc: {  	s16 =	simm.s32 $0x0;
	v4 =	vadd.f32 v4, v12;
	v12 =	vld [tilespmem:s31+$0xFFFFFEC0];
	[tilespmem:s25+$0x0] =	vst.msk vm0, v13  }
0x1fd: {  	v5 =	vadd.bf16 v6, v5;
	v6 =	vmul.bf16 v11, v7;
	v7 =	vld [tilespmem:s15+$0xFFFFFED0]  }
0x1fe: {  	v3 =	vadd.f32 v4, v3;
	v4 =	vld [tilespmem:s31+$0xFFFFFED0]  }
0x1ff: {  	v11 =	vunpack.i.u.bf16.f32 v5;
	v5 =	vunpack.i.l.bf16.f32 v5;
	v8 =	vmul.bf16 v10, v8;
	v10 =	vld [tilespmem:s15+$0xFFFFFEE0]  }
0x200: {  	v5 =	vadd.f32 v5, v11;
	v11 =	vld [tilespmem:s31+$0xFFFFFEE0];
	(xrf2) =	vadd.scan.msk.f32 $0xffff, v3  }
0x201: {  	v3 =	vadd.bf16 v8, v6;
	v6 =	vmul.bf16 v12, v9;
	v8 =	vld [tilespmem:s15+$0xFFFFFEF0]  }
0x202: {  	v9 =	vld [tilespmem:s31+$0xFFFFFEF0]  }
0x203: {  	v12 =	vunpack.i.u.bf16.f32 v3;
	v3 =	vunpack.i.l.bf16.f32 v3;
	v4 =	vmul.bf16 v4, v7;
	v7 =	vld [tilespmem:s15+$0xFFFFFF00]  }
0x204: {  	v3 =	vadd.f32 v3, v12;
	v12 =	vld [tilespmem:s31+$0xFFFFFF00]  }
0x205: {  	v4 =	vadd.bf16 v4, v6;
	v6 =	vmul.bf16 v11, v10;
	v10 =	vld [tilespmem:s15+$0xFFFFFF10]  }
0x206: {  	v3 =	vadd.f32 v3, v5;
	v5 =	vld [tilespmem:s31+$0xFFFFFF10]  }
0x207: {  	v11 =	vunpack.i.u.bf16.f32 v4;
	v4 =	vunpack.i.l.bf16.f32 v4;
	v8 =	vmul.bf16 v9, v8;
	v9 =	vld [tilespmem:s15+$0xFFFFFF20]  }
0x208: {  	v4 =	vadd.f32 v4, v11;
	v11 =	vld [tilespmem:s31+$0xFFFFFF20];
	(xrf2) =	vadd.scan.msk.f32 $0xffff, v3  }
0x209: {  	v3 =	vadd.bf16 v8, v6;
	v6 =	vmul.bf16 v12, v7;
	v7 =	vld [tilespmem:s15+$0xFFFFFF30]  }
0x20a: {  	v8 =	vld [tilespmem:s31+$0xFFFFFF30];
	v12, _, _ =	vpop (xrf2)  }
0x20b: {  	[tilespmem:s25+$0xFFFFFFF2] =	vst.msk vm0, v12;
	v12 =	vunpack.i.u.bf16.f32 v3;
	v3 =	vunpack.i.l.bf16.f32 v3;
	v5 =	vmul.bf16 v5, v10;
	v10 =	vld [tilespmem:s15+$0xFFFFFF40]  }
0x20c: {  	v3 =	vadd.f32 v3, v12;
	v12 =	vld [tilespmem:s31+$0xFFFFFF40]  }
0x20d: {  	v5 =	vadd.bf16 v5, v6;
	v6 =	vmul.bf16 v11, v9;
	v9 =	vld [tilespmem:s15+$0xFFFFFF50]  }
0x20e: {  	v3 =	vadd.f32 v3, v4;
	v4 =	vld [tilespmem:s31+$0xFFFFFF50]  }
0x20f: {  	v11 =	vunpack.i.u.bf16.f32 v5;
	v5 =	vunpack.i.l.bf16.f32 v5;
	v7 =	vmul.bf16 v8, v7;
	v8 =	vld [tilespmem:s15+$0xFFFFFF60]  }
0x210: {  	v5 =	vadd.f32 v5, v11;
	v11 =	vld [tilespmem:s31+$0xFFFFFF60];
	(xrf2) =	vadd.scan.msk.f32 $0xffff, v3  }
0x211: {  	v3 =	vadd.bf16 v7, v6;
	v6 =	vmul.bf16 v12, v10;
	v7 =	vld [tilespmem:s15+$0xFFFFFF70]  }
0x212: {  	v10 =	vld [tilespmem:s31+$0xFFFFFF70];
	v12, _, _ =	vpop (xrf2)  }
0x213: {  	[tilespmem:s25+$0xFFFFFFF3] =	vst.msk vm0, v12;
	v12 =	vunpack.i.u.bf16.f32 v3;
	v3 =	vunpack.i.l.bf16.f32 v3;
	v4 =	vmul.bf16 v4, v9;
	v9 =	vld [tilespmem:s15+$0xFFFFFF80]  }
0x214: {  	v3 =	vadd.f32 v3, v12;
	v12 =	vld [tilespmem:s31+$0xFFFFFF80]  }
0x215: {  	v4 =	vadd.bf16 v4, v6;
	v6 =	vmul.bf16 v11, v8;
	v8 =	vld [tilespmem:s15+$0xFFFFFF90]  }
0x216: {  	v3 =	vadd.f32 v3, v5;
	v5 =	vld [tilespmem:s31+$0xFFFFFF90]  }
0x217: {  	v11 =	vunpack.i.u.bf16.f32 v4;
	v4 =	vunpack.i.l.bf16.f32 v4;
	v7 =	vmul.bf16 v10, v7;
	v10 =	vld [tilespmem:s15+$0xFFFFFFA0]  }
0x218: {  	v4 =	vadd.f32 v4, v11;
	v11 =	vld [tilespmem:s31+$0xFFFFFFA0];
	(xrf2) =	vadd.scan.msk.f32 $0xffff, v3  }
0x219: {  	v3 =	vadd.bf16 v7, v6;
	v6 =	vmul.bf16 v12, v9;
	v7 =	vld [tilespmem:s15+$0xFFFFFFB0]  }
0x21a: {  	v9 =	vld [tilespmem:s31+$0xFFFFFFB0];
	v12, _, _ =	vpop (xrf2)  }
0x21b: {  	[tilespmem:s25+$0xFFFFFFF4] =	vst.msk vm0, v12;
	v12 =	vunpack.i.u.bf16.f32 v3;
	v3 =	vunpack.i.l.bf16.f32 v3;
	v5 =	vmul.bf16 v5, v8;
	v8 =	vld [tilespmem:s15+$0xFFFFFFC0]  }
0x21c: {  	v3 =	vadd.f32 v3, v12;
	v12 =	vld [tilespmem:s31+$0xFFFFFFC0]  }
0x21d: {  	v5 =	vadd.bf16 v5, v6;
	v6 =	vmul.bf16 v11, v10;
	v10 =	vld [tilespmem:s15+$0xFFFFFFD0]  }
0x21e: {  	v3 =	vadd.f32 v3, v4;
	v4 =	vld [tilespmem:s31+$0xFFFFFFD0]  }
0x21f: {  	v11 =	vunpack.i.u.bf16.f32 v5;
	v5 =	vunpack.i.l.bf16.f32 v5;
	v7 =	vmul.bf16 v9, v7;
	v9 =	vld [tilespmem:s15+$0xFFFFFFE0]  }
0x220: {  	v5 =	vadd.f32 v5, v11;
	v11 =	vld [tilespmem:s31+$0xFFFFFFE0];
	(xrf2) =	vadd.scan.msk.f32 $0xffff, v3  }
0x221: {  	v3 =	vadd.bf16 v7, v6;
	v6 =	vmul.bf16 v12, v8;
	v7 =	vld [tilespmem:s15+$0xFFFFFFF0]  }
0x222: {  	v8 =	vld [tilespmem:s31+$0xFFFFFFF0];
	v12, _, _ =	vpop (xrf2)  }
0x223: {  	[tilespmem:s25+$0xFFFFFFF5] =	vst.msk vm0, v12;
	v12 =	vunpack.i.u.bf16.f32 v3;
	v3 =	vunpack.i.l.bf16.f32 v3;
	v4 =	vmul.bf16 v4, v10;
	v10 =	vld [tilespmem:s15+$0x0]  }
0x224: {  	v3 =	vadd.f32 v3, v12;
	v12 =	vld [tilespmem:s31+$0x0]  }
0x225: {  	v4 =	vadd.bf16 v4, v6;
	v6 =	vmul.bf16 v11, v9;
	v9 =	vld [tilespmem:s15+$0x10]  }
0x226: {  	v3 =	vadd.f32 v3, v5;
	v5 =	vld [tilespmem:s31+$0x10]  }
0x227: {  	v11 =	vunpack.i.u.bf16.f32 v4;
	v4 =	vunpack.i.l.bf16.f32 v4;
	v7 =	vmul.bf16 v8, v7;
	v8 =	vld [tilespmem:s15+$0x20]  }
0x228: {  	v4 =	vadd.f32 v4, v11;
	v11 =	vld [tilespmem:s31+$0x20];
	(xrf2) =	vadd.scan.msk.f32 $0xffff, v3  }
0x229: {  	v3 =	vadd.bf16 v7, v6;
	v6 =	vmul.bf16 v12, v10;
	v7 =	vld [tilespmem:s15+$0x30]  }
0x22a: {  	v10 =	vld [tilespmem:s31+$0x30];
	v12, _, _ =	vpop (xrf2)  }
0x22b: {  	[tilespmem:s25+$0xFFFFFFF6] =	vst.msk vm0, v12;
	v12 =	vunpack.i.u.bf16.f32 v3;
	v3 =	vunpack.i.l.bf16.f32 v3;
	v5 =	vmul.bf16 v5, v9;
	v9 =	vld [tilespmem:s15+$0x40]  }
0x22c: {  	v3 =	vadd.f32 v3, v12;
	v12 =	vld [tilespmem:s31+$0x40]  }
0x22d: {  	v5 =	vadd.bf16 v5, v6;
	v6 =	vmul.bf16 v11, v8;
	v8 =	vld [tilespmem:s15+$0x50]  }
0x22e: {  	v3 =	vadd.f32 v3, v4;
	v4 =	vld [tilespmem:s31+$0x50]  }
0x22f: {  	v11 =	vunpack.i.u.bf16.f32 v5;
	v5 =	vunpack.i.l.bf16.f32 v5;
	v7 =	vmul.bf16 v10, v7;
	v10 =	vld [tilespmem:s15+$0x60]  }
0x230: {  	v5 =	vadd.f32 v5, v11;
	v11 =	vld [tilespmem:s31+$0x60];
	(xrf2) =	vadd.scan.msk.f32 $0xffff, v3  }
0x231: {  	v3 =	vadd.bf16 v7, v6;
	v6 =	vmul.bf16 v12, v9;
	v7 =	vld [tilespmem:s15+$0x70]  }
0x232: {  	v9 =	vld [tilespmem:s31+$0x70];
	v12, _, _ =	vpop (xrf2)  }
0x233: {  	[tilespmem:s25+$0xFFFFFFF7] =	vst.msk vm0, v12;
	v12 =	vunpack.i.u.bf16.f32 v3;
	v3 =	vunpack.i.l.bf16.f32 v3;
	v4 =	vmul.bf16 v4, v8;
	v8 =	vld [tilespmem:s15+$0x80]  }
0x234: {  	v3 =	vadd.f32 v3, v12;
	v12 =	vld [tilespmem:s31+$0x80]  }
0x235: {  	v4 =	vadd.bf16 v4, v6;
	v6 =	vmul.bf16 v11, v10;
	v10 =	vld [tilespmem:s15+$0x90]  }
0x236: {  	v3 =	vadd.f32 v3, v5;
	v5 =	vld [tilespmem:s31+$0x90]  }
0x237: {  	v11 =	vunpack.i.u.bf16.f32 v4;
	v4 =	vunpack.i.l.bf16.f32 v4;
	v7 =	vmul.bf16 v9, v7;
	v9 =	vld [tilespmem:s15+$0xA0]  }
0x238: {  	v4 =	vadd.f32 v4, v11;
	v11 =	vld [tilespmem:s31+$0xA0];
	(xrf2) =	vadd.scan.msk.f32 $0xffff, v3  }
0x239: {  	v3 =	vadd.bf16 v7, v6;
	v6 =	vmul.bf16 v12, v8;
	v7 =	vld [tilespmem:s15+$0xB0]  }
0x23a: {  	v8 =	vld [tilespmem:s31+$0xB0];
	v12, _, _ =	vpop (xrf2)  }
0x23b: {  	[tilespmem:s25+$0xFFFFFFF8] =	vst.msk vm0, v12;
	v12 =	vunpack.i.u.bf16.f32 v3;
	v3 =	vunpack.i.l.bf16.f32 v3;
	v5 =	vmul.bf16 v5, v10;
	v10 =	vld [tilespmem:s15+$0xC0]  }
0x23c: {  	v3 =	vadd.f32 v3, v12;
	v12 =	vld [tilespmem:s31+$0xC0]  }
0x23d: {  	v5 =	vadd.bf16 v5, v6;
	v6 =	vmul.bf16 v11, v9;
	v9 =	vld [tilespmem:s15+$0xD0]  }
0x23e: {  	v3 =	vadd.f32 v3, v4;
	v4 =	vld [tilespmem:s31+$0xD0]  }
0x23f: {  	v11 =	vunpack.i.u.bf16.f32 v5;
	v5 =	vunpack.i.l.bf16.f32 v5;
	v7 =	vmul.bf16 v8, v7;
	v8 =	vld [tilespmem:s15+$0xE0]  }
0x240: {  	v5 =	vadd.f32 v5, v11;
	v11 =	vld [tilespmem:s31+$0xE0];
	(xrf2) =	vadd.scan.msk.f32 $0xffff, v3  }
0x241: {  	v3 =	vadd.bf16 v7, v6;
	v6 =	vmul.bf16 v12, v10;
	v7 =	vld [tilespmem:s15+$0xF0]  }
0x242: {  	v10 =	vld [tilespmem:s31+$0xF0];
	v12, _, _ =	vpop (xrf2)  }
0x243: {  	[tilespmem:s25+$0xFFFFFFF9] =	vst.msk vm0, v12;
	v12 =	vunpack.i.u.bf16.f32 v3;
	v3 =	vunpack.i.l.bf16.f32 v3;
	v4 =	vmul.bf16 v4, v9;
	v9 =	vld [tilespmem:s15+$0x100]  }
0x244: {  	v3 =	vadd.f32 v3, v12;
	v12 =	vld [tilespmem:s31+$0x100]  }
0x245: {  	v4 =	vadd.bf16 v4, v6;
	v6 =	vmul.bf16 v11, v8;
	v8 =	vld [tilespmem:s15+$0x110]  }
0x246: {  	v3 =	vadd.f32 v3, v5;
	v5 =	vld [tilespmem:s31+$0x110]  }
0x247: {  	v11 =	vunpack.i.u.bf16.f32 v4;
	v4 =	vunpack.i.l.bf16.f32 v4;
	v7 =	vmul.bf16 v10, v7;
	v10 =	vld [tilespmem:s15+$0x120]  }
0x248: {  	v4 =	vadd.f32 v4, v11;
	v11 =	vld [tilespmem:s31+$0x120];
	(xrf2) =	vadd.scan.msk.f32 $0xffff, v3  }
0x249: {  	v3 =	vadd.bf16 v7, v6;
	v6 =	vmul.bf16 v12, v9;
	v7 =	vld [tilespmem:s15+$0x130]  }
0x24a: {  	v9 =	vld [tilespmem:s31+$0x130];
	v12, _, _ =	vpop (xrf2)  }
0x24b: {  	[tilespmem:s25+$0xFFFFFFFA] =	vst.msk vm0, v12;
	v12 =	vunpack.i.u.bf16.f32 v3;
	v3 =	vunpack.i.l.bf16.f32 v3;
	v5 =	vmul.bf16 v5, v8;
	v8 =	vld [tilespmem:s15+$0x140]  }
0x24c: {  	v3 =	vadd.f32 v3, v12;
	v12 =	vld [tilespmem:s31+$0x140]  }
0x24d: {  	v5 =	vadd.bf16 v5, v6;
	v6 =	vmul.bf16 v11, v10;
	v10 =	vld [tilespmem:s15+$0x150]  }
0x24e: {  	v3 =	vadd.f32 v3, v4;
	v4 =	vld [tilespmem:s31+$0x150]  }
0x24f: {  	v11 =	vunpack.i.u.bf16.f32 v5;
	v5 =	vunpack.i.l.bf16.f32 v5;
	v7 =	vmul.bf16 v9, v7;
	v9 =	vld [tilespmem:s15+$0x160]  }
0x250: {  	v5 =	vadd.f32 v5, v11;
	v11 =	vld [tilespmem:s31+$0x160];
	(xrf2) =	vadd.scan.msk.f32 $0xffff, v3  }
0x251: {  	v3 =	vadd.bf16 v7, v6;
	v6 =	vmul.bf16 v12, v8;
	v7 =	vld [tilespmem:s15+$0x170]  }
0x252: {  	v8 =	vld [tilespmem:s31+$0x170];
	v12, _, _ =	vpop (xrf2)  }
0x253: {  	[tilespmem:s25+$0xFFFFFFFB] =	vst.msk vm0, v12;
	v12 =	vunpack.i.u.bf16.f32 v3;
	v3 =	vunpack.i.l.bf16.f32 v3;
	v4 =	vmul.bf16 v4, v10;
	v10 =	vld [tilespmem:s15+$0x180]  }
0x254: {  	v3 =	vadd.f32 v3, v12;
	v12 =	vld [tilespmem:s31+$0x180]  }
0x255: {  	v4 =	vadd.bf16 v4, v6;
	v6 =	vmul.bf16 v11, v9;
	v13 =	vld [tilespmem:s15+$0x190]  }
0x256: {  	v9 =	vadd.f32 v3, v5;
	v14 =	vld [tilespmem:s31+$0x190]  }
.Ltmp2:
0x257: {  	v5 =	vunpack.i.u.bf16.f32 v4;
	v4 =	vunpack.i.l.bf16.f32 v4;
	v7 =	vmul.bf16 v8, v7;
	v3 =	vld [tilespmem:s15+$0x1A0];
	(pc) =	sbr.rel @p0 .LBB2_7-.Ltmp2, $4  }
0x258: {  	v5 =	vadd.f32 v4, v5;
	v4 =	vld [tilespmem:s31+$0x1A0];
	(xrf2) =	vadd.scan.msk.f32 $0xffff, v9  }
0x259: {  	v15 =	vadd.bf16 v7, v6;
	v9 =	vmul.bf16 v12, v10;
	v6 =	vld [tilespmem:s15+$0x1B0]  }
0x25a: {  	v7 =	vld [tilespmem:s31+$0x1B0];
	v10, _, _ =	vpop (xrf2)  }
0x25b: {  	v8 =	vld [tilespmem:s15+$0xFFFFFE00];
	[tilespmem:s25+$0xFFFFFFFC] =	vst.msk vm0, v10;
	v11 =	vunpack.i.u.bf16.f32 v15;
	v12 =	vunpack.i.l.bf16.f32 v15;
	v10 =	vmul.bf16 v14, v13;
	s15 =	sadd.s32 $0x400, s15  }
0x25c: {  	_ =	sdelay $0x3  }
0x25d: {  	v11 =	vadd.f32 v12, v11;
	v0 =	vmul.bf16 v0, v8  }
0x25e: {  	v52 =	vadd.bf16 v10, v9;
	v3 =	vmul.bf16 v4, v3;
	v53 =	vmul.bf16 v7, v6  }
0x25f: {  	v0 =	vadd.bf16 v1, v0  }
0x260: {  	v54 =	vadd.f32 v11, v5;
	v55 =	vunpack.i.u.bf16.f32 v52;
	v3 =	vadd.bf16 v53, v3  }
0x261: {  	v56 =	vunpack.i.l.bf16.f32 v52;
	v57 =	vunpack.i.u.bf16.f32 v0;
	v0 =	vunpack.i.l.bf16.f32 v0  }
0x262: {  	v58 =	vunpack.i.u.bf16.f32 v3;
	v3 =	vunpack.i.l.bf16.f32 v3;
	v0 =	vadd.f32 v0, v57  }
0x263: {  	v4 =	vadd.f32 v56, v55;
	v3 =	vadd.f32 v3, v58  }
0x264: {  	v0 =	vadd.f32 v2, v0  }
0x265: {  	(xrf2) =	vadd.scan.msk.f32 $0xffff, v54;
	v59 =	vadd.f32 v3, v4  }
0x266: {  	(xrf2) =	vadd.scan.msk.f32 $0xffff, v0  }
0x267: {  	(xrf2) =	vadd.scan.msk.f32 $0xffff, v59;
	_ =	sdelay $0x6  }
0x268: {  	v60, _, _ =	vpop (xrf2)  }
0x269: {  	[tilespmem:s25+$0xFFFFFFFD] =	vst.msk vm0, v60;
	v61, _, _ =	vpop (xrf2)  }
0x26a: {  	[tilespmem:s25+$0xFFFFFFFE] =	vst.msk vm0, v61;
	v62, _, _ =	vpop (xrf2)  }
0x26b: {  	[tilespmem:s25+$0xFFFFFFF1] =	vst.msk vm0, v62;
	v63, _, _ =	vpop (xrf2)  }
0x26c: {  	s0 =	smov.u32 s29;
	[tilespmem:s25+$0xFFFFFFFF] =	vst.msk vm0, v63  }
.LBB2_9:
0x26d: {  	s15 =	sshra.s32 s16, $0x2  }
0x26e: {  	v0 =	vld [tilespmem:s15+$0x14C60]  }
0x26f: {  	v1 =	vld [tilespmem:s15+$0x1B060]  }
0x270: {  	v2 =	vld [tilespmem:s15+$0x14C70]  }
0x271: {  	v3 =	vld [tilespmem:s15+$0x1B070]  }
0x272: {  	v4 =	vld [tilespmem:s15+$0x14C80]  }
0x273: {  	v5 =	vld [tilespmem:s15+$0x1B080]  }
0x274: {  	v6 =	vld [tilespmem:s15+$0x14C90]  }
0x275: {  	v7 =	vld [tilespmem:s15+$0x1B090];
	_ =	sdelay $0x3  }
0x276: {  	v0 =	vmul.bf16 v1, v0;
	v59 =	vmul.bf16 v3, v2  }
0x277: {  	v60 =	vmul.bf16 v5, v4;
	v61 =	vmul.bf16 v7, v6  }
0x278: {  	v0 =	vadd.bf16 v59, v0  }
0x279: {  	v62 =	vadd.bf16 v61, v60  }
0x27a: {  	v63 =	vunpack.i.u.bf16.f32 v0  }
0x27b: {  	v0 =	vunpack.i.l.bf16.f32 v0;
	v3 =	vunpack.i.u.bf16.f32 v62;
	v1 =	vunpack.i.l.bf16.f32 v62  }
0x27c: {  	v0 =	vadd.f32 v0, v63;
	v1 =	vadd.f32 v1, v3;
	_ =	sdelay $0x1  }
0x27d: {  	v0 =	vadd.f32 v1, v0;
	_ =	sdelay $0x1  }
0x27e: {  	(xrf2) =	vadd.scan.msk.f32 $0xffff, v0;
	_ =	sdelay $0x5  }
0x27f: {  	p0 =	sne.s32 s16, $0x700  }
.Ltmp3:
0x280: {  	_ = 	snop;
	(pc) =	sbr.rel @p0 .LBB2_9-.Ltmp3, $3  }
0x281: {  	_ =	sdelay $0x1  }
0x282: {  	v0, _, _ =	vpop (xrf2)  }
0x283: {  	s16 =	sadd.s32 $0x100, s16;
	[tilespmem:s0+$0x0] =	vst.msk vm0, v0;
	s0 =	sadd.s32 $0x1, s0  }
0x284: {  	s30 =	sadd.s32 $0x1, s30  }
0x285: {  	p0 =	sne.s32 s30, $0x19  }
.Ltmp4:
0x286: {  	_ = 	snop;
	(pc) =	sbr.rel @p0 .LBB2_2-.Ltmp4, $3  }
0x287: {  	_ =	sdelay $0x1  }
0x288: {  	s1 =	sadd.s32 $0x190, s1  }
0x289: {  	s26 =	sadd.s32 $0x190, s26;
	s28 =	sadd.s32 $0x190, s28;
	s29 =	sadd.s32 $0x190, s29  }
0x28a: {  	s24 =	sadd.s32 $0x1, s24  }
0x28b: {  	p0 =	sne.s32 s24, s9  }
.Ltmp5:
0x28c: {  	_ = 	snop;
	(pc) =	sbr.rel @p0 .LBB2_1-.Ltmp5, $4  }
0x28d: {  	[hbm4b:s8+s3] =	stream.linear.scatter [tilespmem:s23], [sflag:$0x5], $0x2710, $0x38;
	[tilespmem:$0x1D980] =	vst v63  }
0x28e: {  	_ =	swait.ge [sflag:s11], $0x2710  }
0x28f: {  	[sflag:s11] =	ssyncset.done $0x0  }
0x290: {  	[sflag:s11] =	ssyncadd.s32 $0xFFFFD8F0  }
0x291: {  	_ =	sfence.sel $0x180000  }
0x292: {  	[bflag:$0x0] =	sbarrier.arrive $0xFFFF  }
0x293: {  	_ =	strace $0x90000047  }
0x294: {  	s0 =	stileid.u32;
	[bflag:$0x2] =	sbarrier.arrive $0xFFFF  }
0x295: {  	p0 =	sne.s32 s0, $0x0;
	s0 =	rddreg [dreg:$0x3]  }
0x296: {  	s0 =	sadd.s32 @!p0 $0x100000, s0  }
0x297: {  	[sflag:s0] =	ssyncadd.tile.s32 @!p0 $0x1;
	_ =	shalt  }
.Lfunc_end2:
_tile_overlayer_lowered:
.L_overlay_start_2:
0x298: {  	(tag) =	ssettag $0x2  }
0x299: {  	s0 =	rddreg [dreg:$0x0];
	s2 =	stileid.u32  }
0x29a: {  	s1 =	rddreg [dreg:$0x1];
	p0 =	sne.s32 s2, $0x0  }
0x29b: {  	s3 =	rddreg [dreg:$0x2];
	[bflag:$0x3] =	sbarrier.arrive $0xFFFF;
	s2 =	simm.s32 @!p0 $0x1C05  }
0x29c: {  	[timem:s3], [sflag:s2] =	dma.local @!p0 [hbm:s0], s1  }
0x29d: {  	s0 =	simm.s32 @!p0 $0x5  }
0x29e: {  	_ =	swait.ge @!p0 [sflag:s0], s1  }
0x29f: {  	s1 =	ssub.s32 @!p0 $0x0, s1;
	[sflag:s0] =	ssyncset.done @!p0 $0x0  }
0x2a0: {  	[sflag:s0] =	ssyncadd.s32 @!p0 s1  }
0x2a1: {  	[bflag:$0x3] =	sbarrier.arrive $0xFFFF  }
0x2a2: {  	_ =	shalt  }

</sc_bundles>
